<compile_context>
chip_gen: v7x
topology: tpu7x:2x2x1
jax: 0.10.2.dev20260603
libtpu: 0.0.44.dev20260713+nightly
codegen_flags: <defaults>
</compile_context>

<pallas_src>
import functools

import jax
import jax.numpy as jnp
from jax import lax
from jax.experimental import pallas as pl
from jax.experimental.pallas import tpu as pltpu
from jax.experimental.pallas import tpu_sc as plsc

_CHUNK = 128
_NBUF = 4


@functools.lru_cache(maxsize=None)
def _build(total, n_workers, n_rows, d):
    per_w = total // n_workers
    n_iter = per_w // _CHUNK
    n_outer = n_iter // _NBUF
    assert n_iter == n_outer * _NBUF and n_outer >= 3
    mesh = plsc.VectorSubcoreMesh(core_axis_name="c", subcore_axis_name="s")

    @functools.partial(
        pl.kernel,
        mesh=mesh,
        out_type=jax.ShapeDtypeStruct((total, d), jnp.float32),
        scratch_types=[
            pltpu.VMEM((_NBUF, _CHUNK), jnp.int32),
            pltpu.VMEM((_NBUF, _CHUNK, d), jnp.float32),
            pltpu.VMEM_SHARED((n_rows, d), jnp.float32),
        ]
        + [pltpu.SemaphoreType.DMA] * (3 * _NBUF),
    )
    def gather_kernel(ids_hbm, table_hbm, out_hbm, idx_v, rows_v, table_sp, *sems):
        sem_i = sems[:_NBUF]
        sem_g = sems[_NBUF : 2 * _NBUF]
        sem_o = sems[2 * _NBUF :]
        sid = lax.axis_index("s")
        wid = sid * 2 + lax.axis_index("c")
        base = wid * per_w

        @pl.when(sid == 0)
        def _stage():
            pltpu.sync_copy(table_hbm, table_sp)

        plsc.subcore_barrier()

        def start_idx(b, g):
            pltpu.async_copy(
                ids_hbm.at[pl.ds(base + g * _CHUNK, _CHUNK)], idx_v.at[b], sem_i[b]
            )

        def wait_idx(b):
            pltpu.make_async_copy(
                ids_hbm.at[pl.ds(0, _CHUNK)], idx_v.at[b], sem_i[b]
            ).wait()

        def start_gather(b):
            pltpu.async_copy(table_sp.at[idx_v.at[b]], rows_v.at[b], sem_g[b])

        def wait_gather(b):
            pltpu.make_async_copy(
                table_sp.at[idx_v.at[b]], rows_v.at[b], sem_g[b]
            ).wait()

        def start_out(b, g):
            pltpu.async_copy(
                rows_v.at[b], out_hbm.at[pl.ds(base + g * _CHUNK, _CHUNK)], sem_o[b]
            )

        def wait_out(b):
            pltpu.make_async_copy(
                rows_v.at[b], out_hbm.at[pl.ds(0, _CHUNK)], sem_o[b]
            ).wait()

        for b in range(_NBUF):
            start_idx(b, b)

        for b in range(_NBUF):
            wait_idx(b)
            start_gather(b)
            if b > 0:
                wait_gather(b - 1)
                start_out(b - 1, b - 1)
                start_idx(b - 1, b - 1 + _NBUF)

        def outer(o, carry):
            for b in range(_NBUF):
                g = o * _NBUF + b
                wait_idx(b)
                wait_out(b)
                start_gather(b)
                bp = (b - 1) % _NBUF
                wait_gather(bp)
                start_out(bp, g - 1)
                start_idx(bp, g - 1 + _NBUF)
            return carry

        lax.fori_loop(1, n_outer - 1, outer, 0)

        for b in range(_NBUF):
            g = (n_outer - 1) * _NBUF + b
            wait_idx(b)
            wait_out(b)
            start_gather(b)
            bp = (b - 1) % _NBUF
            wait_gather(bp)
            start_out(bp, g - 1)
            if g - 1 + _NBUF < n_iter:
                start_idx(bp, g - 1 + _NBUF)

        wait_gather(_NBUF - 1)
        start_out(_NBUF - 1, n_iter - 1)
        for b in range(_NBUF):
            wait_out(b)

    return gather_kernel


def kernel(position_ids, pe):
    b, t = position_ids.shape
    total = b * t
    flat_ids = position_ids.reshape(total)
    out = _build(total, 32, pe.shape[0], pe.shape[1])(flat_ids, pe)
    return out.reshape(b, t, pe.shape[1])

# --- scband reference (transcript-rebuilt; emitter-appended) ---
"""Pipeline reference for scband-sinusoidal-position-embeddings-11295763989070 (READ-ONLY COPY).

The authoritative reference and input builder live on the scoring server;
editing this copy changes nothing except your own understanding.
"""

import jax, jax.numpy as jnp
import numpy as np

N_POSITIONS = 512
N_EMBD = 128


def _make_pe():
    position = np.arange(N_POSITIONS, dtype=np.float32)[:, None]
    div_term = np.exp(np.arange(0, N_EMBD, 2, dtype=np.float32) * -(np.log(10000.0) / N_EMBD))
    pe = np.zeros((N_POSITIONS, N_EMBD), dtype=np.float32)
    pe[:, 0::2] = np.sin(position * div_term)
    pe[:, 1::2] = np.cos(position * div_term)
    return jnp.asarray(pe)


def setup_inputs(seed: int = 0):
    key = jax.random.key(seed)
    position_ids = jax.random.randint(key, (4096, 200), 0, N_POSITIONS, dtype=jnp.int32)
    return {"position_ids": position_ids, "pe": _make_pe()}


def reference(position_ids, pe):
    # nn.Embedding lookup == row gather from the frozen sinusoidal table
    return jnp.take(pe, position_ids, axis=0)

if __name__ == "__main__":
    import jax
    _d = setup_inputs()
    print(jax.jit(kernel)(*tuple(_d.values())))

</pallas_src>

<mosaic_0001>
#map = affine_map<(d0, d1) -> (0)>
#map1 = affine_map<(d0, d1) -> (0, 0)>
module attributes {stable_mosaic.version = 14 : i64} {
  func.func @gather_kernel(%arg0: i32, %arg1: i32, %arg2: memref<819200xi32, #tpu.memory_space<hbm>>, %arg3: memref<512x128xf32, #tpu.memory_space<hbm>>, %arg4: memref<819200x128xf32, #tpu.memory_space<hbm>>, %arg5: memref<4x128xi32, #tpu.memory_space<vmem>>, %arg6: memref<4x128x128xf32, #tpu.memory_space<vmem>>, %arg7: memref<512x128xf32, #tpu.memory_space<vmem_shared>>, %arg8: memref<!tpu.dma_semaphore, #tpu.memory_space<semaphore_mem>>, %arg9: memref<!tpu.dma_semaphore, #tpu.memory_space<semaphore_mem>>, %arg10: memref<!tpu.dma_semaphore, #tpu.memory_space<semaphore_mem>>, %arg11: memref<!tpu.dma_semaphore, #tpu.memory_space<semaphore_mem>>, %arg12: memref<!tpu.dma_semaphore, #tpu.memory_space<semaphore_mem>>, %arg13: memref<!tpu.dma_semaphore, #tpu.memory_space<semaphore_mem>>, %arg14: memref<!tpu.dma_semaphore, #tpu.memory_space<semaphore_mem>>, %arg15: memref<!tpu.dma_semaphore, #tpu.memory_space<semaphore_mem>>, %arg16: memref<!tpu.dma_semaphore, #tpu.memory_space<semaphore_mem>>, %arg17: memref<!tpu.dma_semaphore, #tpu.memory_space<semaphore_mem>>, %arg18: memref<!tpu.dma_semaphore, #tpu.memory_space<semaphore_mem>>, %arg19: memref<!tpu.dma_semaphore, #tpu.memory_space<semaphore_mem>>) attributes {dimension_semantics = [#tpu.dimension_semantics<core_parallel>, #tpu.dimension_semantics<subcore_parallel>], iteration_bounds = array<i64: 2, 16>, scalar_prefetch = 0 : i64, scratch_operands = 15 : i64, tpu.core_type = #tpu.core_type<sc_vector_subcore>, window_params = [{transform_indices = #map}, {transform_indices = #map1}, {transform_indices = #map1}]} {
    %mul3A = arith.constant 2 : i32
    %mul3A_0 = arith.muli %arg1, %mul3A : i32
    %add3A = arith.addi %mul3A_0, %arg0 : i32
    %mul3A_1 = arith.constant 25600 : i32
    %mul3A_2 = arith.muli %add3A, %mul3A_1 : i32
    %eq3A = arith.constant 0 : i32
    %eq3A_3 = arith.cmpi eq, %arg1, %eq3A : i32
    %convert_element_type3A = arith.extui %eq3A_3 : i1 to i32
    %cond3A = arith.constant 0 : i32
    %cond3A_4 = arith.cmpi ne, %convert_element_type3A, %cond3A : i32
    scf.if %cond3A_4 {
      "tpu.region"() ({
        %run_scoped3A = tpu.sem_alloc : memref<!tpu.dma_semaphore, #tpu.memory_space<semaphore_mem>>
        tpu.enqueue_dma source(%arg3 : memref<512x128xf32, #tpu.memory_space<hbm>>) target(%arg7 : memref<512x128xf32, #tpu.memory_space<vmem_shared>>) target_semaphore(%run_scoped3A : memref<!tpu.dma_semaphore, #tpu.memory_space<semaphore_mem>>)
        tpu.wait_dma2 semaphore(%run_scoped3A : memref<!tpu.dma_semaphore, #tpu.memory_space<semaphore_mem>>) src(%arg3 : memref<512x128xf32, #tpu.memory_space<hbm>>) dst(%arg7 : memref<512x128xf32, #tpu.memory_space<vmem_shared>>)
        tpu.yield
      }) : () -> ()
    } else {
    }
    %barrier3A = arith.constant 0 : index
    tpu.barrier barrier_id(%barrier3A)
    %add3A_5 = arith.constant 0 : i32
    %add3A_6 = arith.addi %mul3A_2, %add3A_5 : i32
    %dma_start3A = arith.constant 0 : i32
    %dma_start3A_7 = arith.constant 0 : i32
    %dma_start3A_8 = tpu.memref_slice %arg5[%dma_start3A, %dma_start3A_7] : memref<4x128xi32, #tpu.memory_space<vmem>> -> memref<1x128xi32, #tpu.memory_space<vmem>>
    %dma_start3A_9 = tpu.memref_squeeze %dma_start3A_8 : memref<1x128xi32, #tpu.memory_space<vmem>> -> memref<128xi32, #tpu.memory_space<vmem>>
    %dma_start3A_10 = tpu.memref_slice %arg2[%add3A_6] : memref<819200xi32, #tpu.memory_space<hbm>> -> memref<128xi32, #tpu.memory_space<hbm>>
    %dma_start3A_11 = arith.constant 0 : i32
    %dma_start3A_12 = tpu.memref_slice %arg5[%dma_start3A, %dma_start3A_11] : memref<4x128xi32, #tpu.memory_space<vmem>> -> memref<1x128xi32, #tpu.memory_space<vmem>>
    %dma_start3A_13 = tpu.memref_squeeze %dma_start3A_12 : memref<1x128xi32, #tpu.memory_space<vmem>> -> memref<128xi32, #tpu.memory_space<vmem>>
    %dma_start3A_14 = tpu.memref_slice %arg2[%add3A_6] : memref<819200xi32, #tpu.memory_space<hbm>> -> memref<128xi32, #tpu.memory_space<hbm>>
    tpu.enqueue_dma source(%dma_start3A_14 : memref<128xi32, #tpu.memory_space<hbm>>) target(%dma_start3A_13 : memref<128xi32, #tpu.memory_space<vmem>>) target_semaphore(%arg8 : memref<!tpu.dma_semaphore, #tpu.memory_space<semaphore_mem>>)
    %add3A_15 = arith.constant 128 : i32
    %add3A_16 = arith.addi %mul3A_2, %add3A_15 : i32
    %dma_start3A_17 = arith.constant 1 : i32
    %dma_start3A_18 = arith.constant 0 : i32
    %dma_start3A_19 = tpu.memref_slice %arg5[%dma_start3A_17, %dma_start3A_18] : memref<4x128xi32, #tpu.memory_space<vmem>> -> memref<1x128xi32, #tpu.memory_space<vmem>>
    %dma_start3A_20 = tpu.memref_squeeze %dma_start3A_19 : memref<1x128xi32, #tpu.memory_space<vmem>> -> memref<128xi32, #tpu.memory_space<vmem>>
    %dma_start3A_21 = tpu.memref_slice %arg2[%add3A_16] : memref<819200xi32, #tpu.memory_space<hbm>> -> memref<128xi32, #tpu.memory_space<hbm>>
    %dma_start3A_22 = arith.constant 0 : i32
    %dma_start3A_23 = tpu.memref_slice %arg5[%dma_start3A_17, %dma_start3A_22] : memref<4x128xi32, #tpu.memory_space<vmem>> -> memref<1x128xi32, #tpu.memory_space<vmem>>
    %dma_start3A_24 = tpu.memref_squeeze %dma_start3A_23 : memref<1x128xi32, #tpu.memory_space<vmem>> -> memref<128xi32, #tpu.memory_space<vmem>>
    %dma_start3A_25 = tpu.memref_slice %arg2[%add3A_16] : memref<819200xi32, #tpu.memory_space<hbm>> -> memref<128xi32, #tpu.memory_space<hbm>>
    tpu.enqueue_dma source(%dma_start3A_25 : memref<128xi32, #tpu.memory_space<hbm>>) target(%dma_start3A_24 : memref<128xi32, #tpu.memory_space<vmem>>) target_semaphore(%arg9 : memref<!tpu.dma_semaphore, #tpu.memory_space<semaphore_mem>>)
    %add3A_26 = arith.constant 256 : i32
    %add3A_27 = arith.addi %mul3A_2, %add3A_26 : i32
    %dma_start3A_28 = arith.constant 2 : i32
    %dma_start3A_29 = arith.constant 0 : i32
    %dma_start3A_30 = tpu.memref_slice %arg5[%dma_start3A_28, %dma_start3A_29] : memref<4x128xi32, #tpu.memory_space<vmem>> -> memref<1x128xi32, #tpu.memory_space<vmem>>
    %dma_start3A_31 = tpu.memref_squeeze %dma_start3A_30 : memref<1x128xi32, #tpu.memory_space<vmem>> -> memref<128xi32, #tpu.memory_space<vmem>>
    %dma_start3A_32 = tpu.memref_slice %arg2[%add3A_27] : memref<819200xi32, #tpu.memory_space<hbm>> -> memref<128xi32, #tpu.memory_space<hbm>>
    %dma_start3A_33 = arith.constant 0 : i32
    %dma_start3A_34 = tpu.memref_slice %arg5[%dma_start3A_28, %dma_start3A_33] : memref<4x128xi32, #tpu.memory_space<vmem>> -> memref<1x128xi32, #tpu.memory_space<vmem>>
    %dma_start3A_35 = tpu.memref_squeeze %dma_start3A_34 : memref<1x128xi32, #tpu.memory_space<vmem>> -> memref<128xi32, #tpu.memory_space<vmem>>
    %dma_start3A_36 = tpu.memref_slice %arg2[%add3A_27] : memref<819200xi32, #tpu.memory_space<hbm>> -> memref<128xi32, #tpu.memory_space<hbm>>
    tpu.enqueue_dma source(%dma_start3A_36 : memref<128xi32, #tpu.memory_space<hbm>>) target(%dma_start3A_35 : memref<128xi32, #tpu.memory_space<vmem>>) target_semaphore(%arg10 : memref<!tpu.dma_semaphore, #tpu.memory_space<semaphore_mem>>)
    %add3A_37 = arith.constant 384 : i32
    %add3A_38 = arith.addi %mul3A_2, %add3A_37 : i32
    %dma_start3A_39 = arith.constant 3 : i32
    %dma_start3A_40 = arith.constant 0 : i32
    %dma_start3A_41 = tpu.memref_slice %arg5[%dma_start3A_39, %dma_start3A_40] : memref<4x128xi32, #tpu.memory_space<vmem>> -> memref<1x128xi32, #tpu.memory_space<vmem>>
    %dma_start3A_42 = tpu.memref_squeeze %dma_start3A_41 : memref<1x128xi32, #tpu.memory_space<vmem>> -> memref<128xi32, #tpu.memory_space<vmem>>
    %dma_start3A_43 = tpu.memref_slice %arg2[%add3A_38] : memref<819200xi32, #tpu.memory_space<hbm>> -> memref<128xi32, #tpu.memory_space<hbm>>
    %dma_start3A_44 = arith.constant 0 : i32
    %dma_start3A_45 = tpu.memref_slice %arg5[%dma_start3A_39, %dma_start3A_44] : memref<4x128xi32, #tpu.memory_space<vmem>> -> memref<1x128xi32, #tpu.memory_space<vmem>>
    %dma_start3A_46 = tpu.memref_squeeze %dma_start3A_45 : memref<1x128xi32, #tpu.memory_space<vmem>> -> memref<128xi32, #tpu.memory_space<vmem>>
    %dma_start3A_47 = tpu.memref_slice %arg2[%add3A_38] : memref<819200xi32, #tpu.memory_space<hbm>> -> memref<128xi32, #tpu.memory_space<hbm>>
    tpu.enqueue_dma source(%dma_start3A_47 : memref<128xi32, #tpu.memory_space<hbm>>) target(%dma_start3A_46 : memref<128xi32, #tpu.memory_space<vmem>>) target_semaphore(%arg11 : memref<!tpu.dma_semaphore, #tpu.memory_space<semaphore_mem>>)
    %dma_wait3A = arith.constant 0 : i32
    %dma_wait3A_48 = arith.constant 0 : i32
    %dma_wait3A_49 = tpu.memref_slice %arg5[%dma_wait3A, %dma_wait3A_48] : memref<4x128xi32, #tpu.memory_space<vmem>> -> memref<1x128xi32, #tpu.memory_space<vmem>>
    %dma_wait3A_50 = tpu.memref_squeeze %dma_wait3A_49 : memref<1x128xi32, #tpu.memory_space<vmem>> -> memref<128xi32, #tpu.memory_space<vmem>>
    %dma_wait3A_51 = arith.constant 0 : i32
    %dma_wait3A_52 = tpu.memref_slice %arg2[%dma_wait3A_51] : memref<819200xi32, #tpu.memory_space<hbm>> -> memref<128xi32, #tpu.memory_space<hbm>>
    %dma_wait3A_53 = arith.constant 0 : i32
    %dma_wait3A_54 = tpu.memref_slice %arg5[%dma_wait3A, %dma_wait3A_53] : memref<4x128xi32, #tpu.memory_space<vmem>> -> memref<1x128xi32, #tpu.memory_space<vmem>>
    %dma_wait3A_55 = tpu.memref_squeeze %dma_wait3A_54 : memref<1x128xi32, #tpu.memory_space<vmem>> -> memref<128xi32, #tpu.memory_space<vmem>>
    %dma_wait3A_56 = arith.constant 0 : i32
    %dma_wait3A_57 = tpu.memref_slice %arg2[%dma_wait3A_56] : memref<819200xi32, #tpu.memory_space<hbm>> -> memref<128xi32, #tpu.memory_space<hbm>>
    tpu.wait_dma2 semaphore(%arg8 : memref<!tpu.dma_semaphore, #tpu.memory_space<semaphore_mem>>) src(%dma_wait3A_57 : memref<128xi32, #tpu.memory_space<hbm>>) dst(%dma_wait3A_55 : memref<128xi32, #tpu.memory_space<vmem>>)
    %dma_start3A_58 = arith.constant 0 : i32
    %dma_start3A_59 = arith.constant 0 : i32
    %dma_start3A_60 = arith.constant 0 : i32
    %dma_start3A_61 = arith.constant 0 : i32
    %dma_start3A_62 = tpu.memref_slice %arg6[%dma_start3A_59, %dma_start3A_60, %dma_start3A_61] : memref<4x128x128xf32, #tpu.memory_space<vmem>> -> memref<1x128x128xf32, #tpu.memory_space<vmem>>
    %dma_start3A_63 = tpu.memref_squeeze %dma_start3A_62 : memref<1x128x128xf32, #tpu.memory_space<vmem>> -> memref<128x128xf32, #tpu.memory_space<vmem>>
    %dma_start3A_64 = arith.constant 0 : i32
    %dma_start3A_65 = tpu.memref_slice %arg5[%dma_start3A_58, %dma_start3A_64] : memref<4x128xi32, #tpu.memory_space<vmem>> -> memref<1x128xi32, #tpu.memory_space<vmem>>
    %dma_start3A_66 = tpu.memref_squeeze %dma_start3A_65 : memref<1x128xi32, #tpu.memory_space<vmem>> -> memref<128xi32, #tpu.memory_space<vmem>>
    %dma_start3A_67 = arith.constant 0 : i32
    %dma_start3A_68 = arith.constant 0 : i32
    %dma_start3A_69 = tpu.memref_slice %arg7[%dma_start3A_67, %dma_start3A_68] : memref<512x128xf32, #tpu.memory_space<vmem_shared>> -> memref<512x128xf32, #tpu.memory_space<vmem_shared>>
    tpu.enqueue_indirect_dma source(%dma_start3A_69 : memref<512x128xf32, #tpu.memory_space<vmem_shared>>) target(%dma_start3A_63 : memref<128x128xf32, #tpu.memory_space<vmem>>) offsets(%dma_start3A_66 : memref<128xi32, #tpu.memory_space<vmem>>) semaphore(%arg12 : memref<!tpu.dma_semaphore, #tpu.memory_space<semaphore_mem>>)
    %dma_wait3A_70 = arith.constant 1 : i32
    %dma_wait3A_71 = arith.constant 0 : i32
    %dma_wait3A_72 = tpu.memref_slice %arg5[%dma_wait3A_70, %dma_wait3A_71] : memref<4x128xi32, #tpu.memory_space<vmem>> -> memref<1x128xi32, #tpu.memory_space<vmem>>
    %dma_wait3A_73 = tpu.memref_squeeze %dma_wait3A_72 : memref<1x128xi32, #tpu.memory_space<vmem>> -> memref<128xi32, #tpu.memory_space<vmem>>
    %dma_wait3A_74 = arith.constant 0 : i32
    %dma_wait3A_75 = tpu.memref_slice %arg2[%dma_wait3A_74] : memref<819200xi32, #tpu.memory_space<hbm>> -> memref<128xi32, #tpu.memory_space<hbm>>
    %dma_wait3A_76 = arith.constant 0 : i32
    %dma_wait3A_77 = tpu.memref_slice %arg5[%dma_wait3A_70, %dma_wait3A_76] : memref<4x128xi32, #tpu.memory_space<vmem>> -> memref<1x128xi32, #tpu.memory_space<vmem>>
    %dma_wait3A_78 = tpu.memref_squeeze %dma_wait3A_77 : memref<1x128xi32, #tpu.memory_space<vmem>> -> memref<128xi32, #tpu.memory_space<vmem>>
    %dma_wait3A_79 = arith.constant 0 : i32
    %dma_wait3A_80 = tpu.memref_slice %arg2[%dma_wait3A_79] : memref<819200xi32, #tpu.memory_space<hbm>> -> memref<128xi32, #tpu.memory_space<hbm>>
    tpu.wait_dma2 semaphore(%arg9 : memref<!tpu.dma_semaphore, #tpu.memory_space<semaphore_mem>>) src(%dma_wait3A_80 : memref<128xi32, #tpu.memory_space<hbm>>) dst(%dma_wait3A_78 : memref<128xi32, #tpu.memory_space<vmem>>)
    %dma_start3A_81 = arith.constant 1 : i32
    %dma_start3A_82 = arith.constant 1 : i32
    %dma_start3A_83 = arith.constant 0 : i32
    %dma_start3A_84 = arith.constant 0 : i32
    %dma_start3A_85 = tpu.memref_slice %arg6[%dma_start3A_82, %dma_start3A_83, %dma_start3A_84] : memref<4x128x128xf32, #tpu.memory_space<vmem>> -> memref<1x128x128xf32, #tpu.memory_space<vmem>>
    %dma_start3A_86 = tpu.memref_squeeze %dma_start3A_85 : memref<1x128x128xf32, #tpu.memory_space<vmem>> -> memref<128x128xf32, #tpu.memory_space<vmem>>
    %dma_start3A_87 = arith.constant 0 : i32
    %dma_start3A_88 = tpu.memref_slice %arg5[%dma_start3A_81, %dma_start3A_87] : memref<4x128xi32, #tpu.memory_space<vmem>> -> memref<1x128xi32, #tpu.memory_space<vmem>>
    %dma_start3A_89 = tpu.memref_squeeze %dma_start3A_88 : memref<1x128xi32, #tpu.memory_space<vmem>> -> memref<128xi32, #tpu.memory_space<vmem>>
    %dma_start3A_90 = arith.constant 0 : i32
    %dma_start3A_91 = arith.constant 0 : i32
    %dma_start3A_92 = tpu.memref_slice %arg7[%dma_start3A_90, %dma_start3A_91] : memref<512x128xf32, #tpu.memory_space<vmem_shared>> -> memref<512x128xf32, #tpu.memory_space<vmem_shared>>
    tpu.enqueue_indirect_dma source(%dma_start3A_92 : memref<512x128xf32, #tpu.memory_space<vmem_shared>>) target(%dma_start3A_86 : memref<128x128xf32, #tpu.memory_space<vmem>>) offsets(%dma_start3A_89 : memref<128xi32, #tpu.memory_space<vmem>>) semaphore(%arg13 : memref<!tpu.dma_semaphore, #tpu.memory_space<semaphore_mem>>)
    %dma_wait3A_93 = arith.constant 0 : i32
    %dma_wait3A_94 = arith.constant 0 : i32
    %dma_wait3A_95 = arith.constant 0 : i32
    %dma_wait3A_96 = arith.constant 0 : i32
    %dma_wait3A_97 = tpu.memref_slice %arg6[%dma_wait3A_94, %dma_wait3A_95, %dma_wait3A_96] : memref<4x128x128xf32, #tpu.memory_space<vmem>> -> memref<1x128x128xf32, #tpu.memory_space<vmem>>
    %dma_wait3A_98 = tpu.memref_squeeze %dma_wait3A_97 : memref<1x128x128xf32, #tpu.memory_space<vmem>> -> memref<128x128xf32, #tpu.memory_space<vmem>>
    %dma_wait3A_99 = arith.constant 0 : i32
    %dma_wait3A_100 = tpu.memref_slice %arg5[%dma_wait3A_93, %dma_wait3A_99] : memref<4x128xi32, #tpu.memory_space<vmem>> -> memref<1x128xi32, #tpu.memory_space<vmem>>
    %dma_wait3A_101 = tpu.memref_squeeze %dma_wait3A_100 : memref<1x128xi32, #tpu.memory_space<vmem>> -> memref<128xi32, #tpu.memory_space<vmem>>
    %dma_wait3A_102 = arith.constant 0 : i32
    %dma_wait3A_103 = arith.constant 0 : i32
    %dma_wait3A_104 = tpu.memref_slice %arg7[%dma_wait3A_102, %dma_wait3A_103] : memref<512x128xf32, #tpu.memory_space<vmem_shared>> -> memref<512x128xf32, #tpu.memory_space<vmem_shared>>
    tpu.wait_indirect_dma semaphore(%arg12 : memref<!tpu.dma_semaphore, #tpu.memory_space<semaphore_mem>>) src(%dma_wait3A_104 : memref<512x128xf32, #tpu.memory_space<vmem_shared>>) dst(%dma_wait3A_98 : memref<128x128xf32, #tpu.memory_space<vmem>>)
    %add3A_105 = arith.constant 0 : i32
    %add3A_106 = arith.addi %mul3A_2, %add3A_105 : i32
    %dma_start3A_107 = arith.constant 0 : i32
    %dma_start3A_108 = arith.constant 0 : i32
    %dma_start3A_109 = arith.constant 0 : i32
    %dma_start3A_110 = tpu.memref_slice %arg6[%dma_start3A_107, %dma_start3A_108, %dma_start3A_109] : memref<4x128x128xf32, #tpu.memory_space<vmem>> -> memref<1x128x128xf32, #tpu.memory_space<vmem>>
    %dma_start3A_111 = tpu.memref_squeeze %dma_start3A_110 : memref<1x128x128xf32, #tpu.memory_space<vmem>> -> memref<128x128xf32, #tpu.memory_space<vmem>>
    %dma_start3A_112 = arith.constant 0 : i32
    %dma_start3A_113 = tpu.memref_slice %arg4[%add3A_106, %dma_start3A_112] : memref<819200x128xf32, #tpu.memory_space<hbm>> -> memref<128x128xf32, #tpu.memory_space<hbm>>
    %dma_start3A_114 = arith.constant 0 : i32
    %dma_start3A_115 = tpu.memref_slice %arg4[%add3A_106, %dma_start3A_114] : memref<819200x128xf32, #tpu.memory_space<hbm>> -> memref<128x128xf32, #tpu.memory_space<hbm>>
    %dma_start3A_116 = arith.constant 0 : i32
    %dma_start3A_117 = arith.constant 0 : i32
    %dma_start3A_118 = tpu.memref_slice %arg6[%dma_start3A_107, %dma_start3A_116, %dma_start3A_117] : memref<4x128x128xf32, #tpu.memory_space<vmem>> -> memref<1x128x128xf32, #tpu.memory_space<vmem>>
    %dma_start3A_119 = tpu.memref_squeeze %dma_start3A_118 : memref<1x128x128xf32, #tpu.memory_space<vmem>> -> memref<128x128xf32, #tpu.memory_space<vmem>>
    tpu.enqueue_dma source(%dma_start3A_119 : memref<128x128xf32, #tpu.memory_space<vmem>>) target(%dma_start3A_115 : memref<128x128xf32, #tpu.memory_space<hbm>>) target_semaphore(%arg16 : memref<!tpu.dma_semaphore, #tpu.memory_space<semaphore_mem>>)
    %add3A_120 = arith.constant 512 : i32
    %add3A_121 = arith.addi %mul3A_2, %add3A_120 : i32
    %dma_start3A_122 = arith.constant 0 : i32
    %dma_start3A_123 = arith.constant 0 : i32
    %dma_start3A_124 = tpu.memref_slice %arg5[%dma_start3A_122, %dma_start3A_123] : memref<4x128xi32, #tpu.memory_space<vmem>> -> memref<1x128xi32, #tpu.memory_space<vmem>>
    %dma_start3A_125 = tpu.memref_squeeze %dma_start3A_124 : memref<1x128xi32, #tpu.memory_space<vmem>> -> memref<128xi32, #tpu.memory_space<vmem>>
    %dma_start3A_126 = tpu.memref_slice %arg2[%add3A_121] : memref<819200xi32, #tpu.memory_space<hbm>> -> memref<128xi32, #tpu.memory_space<hbm>>
    %dma_start3A_127 = arith.constant 0 : i32
    %dma_start3A_128 = tpu.memref_slice %arg5[%dma_start3A_122, %dma_start3A_127] : memref<4x128xi32, #tpu.memory_space<vmem>> -> memref<1x128xi32, #tpu.memory_space<vmem>>
    %dma_start3A_129 = tpu.memref_squeeze %dma_start3A_128 : memref<1x128xi32, #tpu.memory_space<vmem>> -> memref<128xi32, #tpu.memory_space<vmem>>
    %dma_start3A_130 = tpu.memref_slice %arg2[%add3A_121] : memref<819200xi32, #tpu.memory_space<hbm>> -> memref<128xi32, #tpu.memory_space<hbm>>
    tpu.enqueue_dma source(%dma_start3A_130 : memref<128xi32, #tpu.memory_space<hbm>>) target(%dma_start3A_129 : memref<128xi32, #tpu.memory_space<vmem>>) target_semaphore(%arg8 : memref<!tpu.dma_semaphore, #tpu.memory_space<semaphore_mem>>)
    %dma_wait3A_131 = arith.constant 2 : i32
    %dma_wait3A_132 = arith.constant 0 : i32
    %dma_wait3A_133 = tpu.memref_slice %arg5[%dma_wait3A_131, %dma_wait3A_132] : memref<4x128xi32, #tpu.memory_space<vmem>> -> memref<1x128xi32, #tpu.memory_space<vmem>>
    %dma_wait3A_134 = tpu.memref_squeeze %dma_wait3A_133 : memref<1x128xi32, #tpu.memory_space<vmem>> -> memref<128xi32, #tpu.memory_space<vmem>>
    %dma_wait3A_135 = arith.constant 0 : i32
    %dma_wait3A_136 = tpu.memref_slice %arg2[%dma_wait3A_135] : memref<819200xi32, #tpu.memory_space<hbm>> -> memref<128xi32, #tpu.memory_space<hbm>>
    %dma_wait3A_137 = arith.constant 0 : i32
    %dma_wait3A_138 = tpu.memref_slice %arg5[%dma_wait3A_131, %dma_wait3A_137] : memref<4x128xi32, #tpu.memory_space<vmem>> -> memref<1x128xi32, #tpu.memory_space<vmem>>
    %dma_wait3A_139 = tpu.memref_squeeze %dma_wait3A_138 : memref<1x128xi32, #tpu.memory_space<vmem>> -> memref<128xi32, #tpu.memory_space<vmem>>
    %dma_wait3A_140 = arith.constant 0 : i32
    %dma_wait3A_141 = tpu.memref_slice %arg2[%dma_wait3A_140] : memref<819200xi32, #tpu.memory_space<hbm>> -> memref<128xi32, #tpu.memory_space<hbm>>
    tpu.wait_dma2 semaphore(%arg10 : memref<!tpu.dma_semaphore, #tpu.memory_space<semaphore_mem>>) src(%dma_wait3A_141 : memref<128xi32, #tpu.memory_space<hbm>>) dst(%dma_wait3A_139 : memref<128xi32, #tpu.memory_space<vmem>>)
    %dma_start3A_142 = arith.constant 2 : i32
    %dma_start3A_143 = arith.constant 2 : i32
    %dma_start3A_144 = arith.constant 0 : i32
    %dma_start3A_145 = arith.constant 0 : i32
    %dma_start3A_146 = tpu.memref_slice %arg6[%dma_start3A_143, %dma_start3A_144, %dma_start3A_145] : memref<4x128x128xf32, #tpu.memory_space<vmem>> -> memref<1x128x128xf32, #tpu.memory_space<vmem>>
    %dma_start3A_147 = tpu.memref_squeeze %dma_start3A_146 : memref<1x128x128xf32, #tpu.memory_space<vmem>> -> memref<128x128xf32, #tpu.memory_space<vmem>>
    %dma_start3A_148 = arith.constant 0 : i32
    %dma_start3A_149 = tpu.memref_slice %arg5[%dma_start3A_142, %dma_start3A_148] : memref<4x128xi32, #tpu.memory_space<vmem>> -> memref<1x128xi32, #tpu.memory_space<vmem>>
    %dma_start3A_150 = tpu.memref_squeeze %dma_start3A_149 : memref<1x128xi32, #tpu.memory_space<vmem>> -> memref<128xi32, #tpu.memory_space<vmem>>
    %dma_start3A_151 = arith.constant 0 : i32
    %dma_start3A_152 = arith.constant 0 : i32
    %dma_start3A_153 = tpu.memref_slice %arg7[%dma_start3A_151, %dma_start3A_152] : memref<512x128xf32, #tpu.memory_space<vmem_shared>> -> memref<512x128xf32, #tpu.memory_space<vmem_shared>>
    tpu.enqueue_indirect_dma source(%dma_start3A_153 : memref<512x128xf32, #tpu.memory_space<vmem_shared>>) target(%dma_start3A_147 : memref<128x128xf32, #tpu.memory_space<vmem>>) offsets(%dma_start3A_150 : memref<128xi32, #tpu.memory_space<vmem>>) semaphore(%arg14 : memref<!tpu.dma_semaphore, #tpu.memory_space<semaphore_mem>>)
    %dma_wait3A_154 = arith.constant 1 : i32
    %dma_wait3A_155 = arith.constant 1 : i32
    %dma_wait3A_156 = arith.constant 0 : i32
    %dma_wait3A_157 = arith.constant 0 : i32
    %dma_wait3A_158 = tpu.memref_slice %arg6[%dma_wait3A_155, %dma_wait3A_156, %dma_wait3A_157] : memref<4x128x128xf32, #tpu.memory_space<vmem>> -> memref<1x128x128xf32, #tpu.memory_space<vmem>>
    %dma_wait3A_159 = tpu.memref_squeeze %dma_wait3A_158 : memref<1x128x128xf32, #tpu.memory_space<vmem>> -> memref<128x128xf32, #tpu.memory_space<vmem>>
    %dma_wait3A_160 = arith.constant 0 : i32
    %dma_wait3A_161 = tpu.memref_slice %arg5[%dma_wait3A_154, %dma_wait3A_160] : memref<4x128xi32, #tpu.memory_space<vmem>> -> memref<1x128xi32, #tpu.memory_space<vmem>>
    %dma_wait3A_162 = tpu.memref_squeeze %dma_wait3A_161 : memref<1x128xi32, #tpu.memory_space<vmem>> -> memref<128xi32, #tpu.memory_space<vmem>>
    %dma_wait3A_163 = arith.constant 0 : i32
    %dma_wait3A_164 = arith.constant 0 : i32
    %dma_wait3A_165 = tpu.memref_slice %arg7[%dma_wait3A_163, %dma_wait3A_164] : memref<512x128xf32, #tpu.memory_space<vmem_shared>> -> memref<512x128xf32, #tpu.memory_space<vmem_shared>>
    tpu.wait_indirect_dma semaphore(%arg13 : memref<!tpu.dma_semaphore, #tpu.memory_space<semaphore_mem>>) src(%dma_wait3A_165 : memref<512x128xf32, #tpu.memory_space<vmem_shared>>) dst(%dma_wait3A_159 : memref<128x128xf32, #tpu.memory_space<vmem>>)
    %add3A_166 = arith.constant 128 : i32
    %add3A_167 = arith.addi %mul3A_2, %add3A_166 : i32
    %dma_start3A_168 = arith.constant 1 : i32
    %dma_start3A_169 = arith.constant 0 : i32
    %dma_start3A_170 = arith.constant 0 : i32
    %dma_start3A_171 = tpu.memref_slice %arg6[%dma_start3A_168, %dma_start3A_169, %dma_start3A_170] : memref<4x128x128xf32, #tpu.memory_space<vmem>> -> memref<1x128x128xf32, #tpu.memory_space<vmem>>
    %dma_start3A_172 = tpu.memref_squeeze %dma_start3A_171 : memref<1x128x128xf32, #tpu.memory_space<vmem>> -> memref<128x128xf32, #tpu.memory_space<vmem>>
    %dma_start3A_173 = arith.constant 0 : i32
    %dma_start3A_174 = tpu.memref_slice %arg4[%add3A_167, %dma_start3A_173] : memref<819200x128xf32, #tpu.memory_space<hbm>> -> memref<128x128xf32, #tpu.memory_space<hbm>>
    %dma_start3A_175 = arith.constant 0 : i32
    %dma_start3A_176 = tpu.memref_slice %arg4[%add3A_167, %dma_start3A_175] : memref<819200x128xf32, #tpu.memory_space<hbm>> -> memref<128x128xf32, #tpu.memory_space<hbm>>
    %dma_start3A_177 = arith.constant 0 : i32
    %dma_start3A_178 = arith.constant 0 : i32
    %dma_start3A_179 = tpu.memref_slice %arg6[%dma_start3A_168, %dma_start3A_177, %dma_start3A_178] : memref<4x128x128xf32, #tpu.memory_space<vmem>> -> memref<1x128x128xf32, #tpu.memory_space<vmem>>
    %dma_start3A_180 = tpu.memref_squeeze %dma_start3A_179 : memref<1x128x128xf32, #tpu.memory_space<vmem>> -> memref<128x128xf32, #tpu.memory_space<vmem>>
    tpu.enqueue_dma source(%dma_start3A_180 : memref<128x128xf32, #tpu.memory_space<vmem>>) target(%dma_start3A_176 : memref<128x128xf32, #tpu.memory_space<hbm>>) target_semaphore(%arg17 : memref<!tpu.dma_semaphore, #tpu.memory_space<semaphore_mem>>)
    %add3A_181 = arith.constant 640 : i32
    %add3A_182 = arith.addi %mul3A_2, %add3A_181 : i32
    %dma_start3A_183 = arith.constant 1 : i32
    %dma_start3A_184 = arith.constant 0 : i32
    %dma_start3A_185 = tpu.memref_slice %arg5[%dma_start3A_183, %dma_start3A_184] : memref<4x128xi32, #tpu.memory_space<vmem>> -> memref<1x128xi32, #tpu.memory_space<vmem>>
    %dma_start3A_186 = tpu.memref_squeeze %dma_start3A_185 : memref<1x128xi32, #tpu.memory_space<vmem>> -> memref<128xi32, #tpu.memory_space<vmem>>
    %dma_start3A_187 = tpu.memref_slice %arg2[%add3A_182] : memref<819200xi32, #tpu.memory_space<hbm>> -> memref<128xi32, #tpu.memory_space<hbm>>
    %dma_start3A_188 = arith.constant 0 : i32
    %dma_start3A_189 = tpu.memref_slice %arg5[%dma_start3A_183, %dma_start3A_188] : memref<4x128xi32, #tpu.memory_space<vmem>> -> memref<1x128xi32, #tpu.memory_space<vmem>>
    %dma_start3A_190 = tpu.memref_squeeze %dma_start3A_189 : memref<1x128xi32, #tpu.memory_space<vmem>> -> memref<128xi32, #tpu.memory_space<vmem>>
    %dma_start3A_191 = tpu.memref_slice %arg2[%add3A_182] : memref<819200xi32, #tpu.memory_space<hbm>> -> memref<128xi32, #tpu.memory_space<hbm>>
    tpu.enqueue_dma source(%dma_start3A_191 : memref<128xi32, #tpu.memory_space<hbm>>) target(%dma_start3A_190 : memref<128xi32, #tpu.memory_space<vmem>>) target_semaphore(%arg9 : memref<!tpu.dma_semaphore, #tpu.memory_space<semaphore_mem>>)
    %dma_wait3A_192 = arith.constant 3 : i32
    %dma_wait3A_193 = arith.constant 0 : i32
    %dma_wait3A_194 = tpu.memref_slice %arg5[%dma_wait3A_192, %dma_wait3A_193] : memref<4x128xi32, #tpu.memory_space<vmem>> -> memref<1x128xi32, #tpu.memory_space<vmem>>
    %dma_wait3A_195 = tpu.memref_squeeze %dma_wait3A_194 : memref<1x128xi32, #tpu.memory_space<vmem>> -> memref<128xi32, #tpu.memory_space<vmem>>
    %dma_wait3A_196 = arith.constant 0 : i32
    %dma_wait3A_197 = tpu.memref_slice %arg2[%dma_wait3A_196] : memref<819200xi32, #tpu.memory_space<hbm>> -> memref<128xi32, #tpu.memory_space<hbm>>
    %dma_wait3A_198 = arith.constant 0 : i32
    %dma_wait3A_199 = tpu.memref_slice %arg5[%dma_wait3A_192, %dma_wait3A_198] : memref<4x128xi32, #tpu.memory_space<vmem>> -> memref<1x128xi32, #tpu.memory_space<vmem>>
    %dma_wait3A_200 = tpu.memref_squeeze %dma_wait3A_199 : memref<1x128xi32, #tpu.memory_space<vmem>> -> memref<128xi32, #tpu.memory_space<vmem>>
    %dma_wait3A_201 = arith.constant 0 : i32
    %dma_wait3A_202 = tpu.memref_slice %arg2[%dma_wait3A_201] : memref<819200xi32, #tpu.memory_space<hbm>> -> memref<128xi32, #tpu.memory_space<hbm>>
    tpu.wait_dma2 semaphore(%arg11 : memref<!tpu.dma_semaphore, #tpu.memory_space<semaphore_mem>>) src(%dma_wait3A_202 : memref<128xi32, #tpu.memory_space<hbm>>) dst(%dma_wait3A_200 : memref<128xi32, #tpu.memory_space<vmem>>)
    %dma_start3A_203 = arith.constant 3 : i32
    %dma_start3A_204 = arith.constant 3 : i32
    %dma_start3A_205 = arith.constant 0 : i32
    %dma_start3A_206 = arith.constant 0 : i32
    %dma_start3A_207 = tpu.memref_slice %arg6[%dma_start3A_204, %dma_start3A_205, %dma_start3A_206] : memref<4x128x128xf32, #tpu.memory_space<vmem>> -> memref<1x128x128xf32, #tpu.memory_space<vmem>>
    %dma_start3A_208 = tpu.memref_squeeze %dma_start3A_207 : memref<1x128x128xf32, #tpu.memory_space<vmem>> -> memref<128x128xf32, #tpu.memory_space<vmem>>
    %dma_start3A_209 = arith.constant 0 : i32
    %dma_start3A_210 = tpu.memref_slice %arg5[%dma_start3A_203, %dma_start3A_209] : memref<4x128xi32, #tpu.memory_space<vmem>> -> memref<1x128xi32, #tpu.memory_space<vmem>>
    %dma_start3A_211 = tpu.memref_squeeze %dma_start3A_210 : memref<1x128xi32, #tpu.memory_space<vmem>> -> memref<128xi32, #tpu.memory_space<vmem>>
    %dma_start3A_212 = arith.constant 0 : i32
    %dma_start3A_213 = arith.constant 0 : i32
    %dma_start3A_214 = tpu.memref_slice %arg7[%dma_start3A_212, %dma_start3A_213] : memref<512x128xf32, #tpu.memory_space<vmem_shared>> -> memref<512x128xf32, #tpu.memory_space<vmem_shared>>
    tpu.enqueue_indirect_dma source(%dma_start3A_214 : memref<512x128xf32, #tpu.memory_space<vmem_shared>>) target(%dma_start3A_208 : memref<128x128xf32, #tpu.memory_space<vmem>>) offsets(%dma_start3A_211 : memref<128xi32, #tpu.memory_space<vmem>>) semaphore(%arg15 : memref<!tpu.dma_semaphore, #tpu.memory_space<semaphore_mem>>)
    %dma_wait3A_215 = arith.constant 2 : i32
    %dma_wait3A_216 = arith.constant 2 : i32
    %dma_wait3A_217 = arith.constant 0 : i32
    %dma_wait3A_218 = arith.constant 0 : i32
    %dma_wait3A_219 = tpu.memref_slice %arg6[%dma_wait3A_216, %dma_wait3A_217, %dma_wait3A_218] : memref<4x128x128xf32, #tpu.memory_space<vmem>> -> memref<1x128x128xf32, #tpu.memory_space<vmem>>
    %dma_wait3A_220 = tpu.memref_squeeze %dma_wait3A_219 : memref<1x128x128xf32, #tpu.memory_space<vmem>> -> memref<128x128xf32, #tpu.memory_space<vmem>>
    %dma_wait3A_221 = arith.constant 0 : i32
    %dma_wait3A_222 = tpu.memref_slice %arg5[%dma_wait3A_215, %dma_wait3A_221] : memref<4x128xi32, #tpu.memory_space<vmem>> -> memref<1x128xi32, #tpu.memory_space<vmem>>
    %dma_wait3A_223 = tpu.memref_squeeze %dma_wait3A_222 : memref<1x128xi32, #tpu.memory_space<vmem>> -> memref<128xi32, #tpu.memory_space<vmem>>
    %dma_wait3A_224 = arith.constant 0 : i32
    %dma_wait3A_225 = arith.constant 0 : i32
    %dma_wait3A_226 = tpu.memref_slice %arg7[%dma_wait3A_224, %dma_wait3A_225] : memref<512x128xf32, #tpu.memory_space<vmem_shared>> -> memref<512x128xf32, #tpu.memory_space<vmem_shared>>
    tpu.wait_indirect_dma semaphore(%arg14 : memref<!tpu.dma_semaphore, #tpu.memory_space<semaphore_mem>>) src(%dma_wait3A_226 : memref<512x128xf32, #tpu.memory_space<vmem_shared>>) dst(%dma_wait3A_220 : memref<128x128xf32, #tpu.memory_space<vmem>>)
    %add3A_227 = arith.constant 256 : i32
    %add3A_228 = arith.addi %mul3A_2, %add3A_227 : i32
    %dma_start3A_229 = arith.constant 2 : i32
    %dma_start3A_230 = arith.constant 0 : i32
    %dma_start3A_231 = arith.constant 0 : i32
    %dma_start3A_232 = tpu.memref_slice %arg6[%dma_start3A_229, %dma_start3A_230, %dma_start3A_231] : memref<4x128x128xf32, #tpu.memory_space<vmem>> -> memref<1x128x128xf32, #tpu.memory_space<vmem>>
    %dma_start3A_233 = tpu.memref_squeeze %dma_start3A_232 : memref<1x128x128xf32, #tpu.memory_space<vmem>> -> memref<128x128xf32, #tpu.memory_space<vmem>>
    %dma_start3A_234 = arith.constant 0 : i32
    %dma_start3A_235 = tpu.memref_slice %arg4[%add3A_228, %dma_start3A_234] : memref<819200x128xf32, #tpu.memory_space<hbm>> -> memref<128x128xf32, #tpu.memory_space<hbm>>
    %dma_start3A_236 = arith.constant 0 : i32
    %dma_start3A_237 = tpu.memref_slice %arg4[%add3A_228, %dma_start3A_236] : memref<819200x128xf32, #tpu.memory_space<hbm>> -> memref<128x128xf32, #tpu.memory_space<hbm>>
    %dma_start3A_238 = arith.constant 0 : i32
    %dma_start3A_239 = arith.constant 0 : i32
    %dma_start3A_240 = tpu.memref_slice %arg6[%dma_start3A_229, %dma_start3A_238, %dma_start3A_239] : memref<4x128x128xf32, #tpu.memory_space<vmem>> -> memref<1x128x128xf32, #tpu.memory_space<vmem>>
    %dma_start3A_241 = tpu.memref_squeeze %dma_start3A_240 : memref<1x128x128xf32, #tpu.memory_space<vmem>> -> memref<128x128xf32, #tpu.memory_space<vmem>>
    tpu.enqueue_dma source(%dma_start3A_241 : memref<128x128xf32, #tpu.memory_space<vmem>>) target(%dma_start3A_237 : memref<128x128xf32, #tpu.memory_space<hbm>>) target_semaphore(%arg18 : memref<!tpu.dma_semaphore, #tpu.memory_space<semaphore_mem>>)
    %add3A_242 = arith.constant 768 : i32
    %add3A_243 = arith.addi %mul3A_2, %add3A_242 : i32
    %dma_start3A_244 = arith.constant 2 : i32
    %dma_start3A_245 = arith.constant 0 : i32
    %dma_start3A_246 = tpu.memref_slice %arg5[%dma_start3A_244, %dma_start3A_245] : memref<4x128xi32, #tpu.memory_space<vmem>> -> memref<1x128xi32, #tpu.memory_space<vmem>>
    %dma_start3A_247 = tpu.memref_squeeze %dma_start3A_246 : memref<1x128xi32, #tpu.memory_space<vmem>> -> memref<128xi32, #tpu.memory_space<vmem>>
    %dma_start3A_248 = tpu.memref_slice %arg2[%add3A_243] : memref<819200xi32, #tpu.memory_space<hbm>> -> memref<128xi32, #tpu.memory_space<hbm>>
    %dma_start3A_249 = arith.constant 0 : i32
    %dma_start3A_250 = tpu.memref_slice %arg5[%dma_start3A_244, %dma_start3A_249] : memref<4x128xi32, #tpu.memory_space<vmem>> -> memref<1x128xi32, #tpu.memory_space<vmem>>
    %dma_start3A_251 = tpu.memref_squeeze %dma_start3A_250 : memref<1x128xi32, #tpu.memory_space<vmem>> -> memref<128xi32, #tpu.memory_space<vmem>>
    %dma_start3A_252 = tpu.memref_slice %arg2[%add3A_243] : memref<819200xi32, #tpu.memory_space<hbm>> -> memref<128xi32, #tpu.memory_space<hbm>>
    tpu.enqueue_dma source(%dma_start3A_252 : memref<128xi32, #tpu.memory_space<hbm>>) target(%dma_start3A_251 : memref<128xi32, #tpu.memory_space<vmem>>) target_semaphore(%arg10 : memref<!tpu.dma_semaphore, #tpu.memory_space<semaphore_mem>>)
    %scan3A = arith.constant 0 : i32
    %scan3A_253 = arith.constant 1 : i32
    %scan3A_254 = arith.constant 48 : i32
    %scan3A_255 = arith.addi %scan3A_253, %scan3A_254 : i32
    %scan3A_256 = arith.constant 1 : i32
    scf.for %scan3A_616 = %scan3A_253 to %scan3A_255 step %scan3A_256  : i32 {
      %mul3A_617 = arith.constant 4 : i32
      %mul3A_618 = arith.muli %scan3A_616, %mul3A_617 : i32
      %add3A_619 = arith.constant 0 : i32
      %add3A_620 = arith.addi %mul3A_618, %add3A_619 : i32
      %dma_wait3A_621 = arith.constant 0 : i32
      %dma_wait3A_622 = arith.constant 0 : i32
      %dma_wait3A_623 = tpu.memref_slice %arg5[%dma_wait3A_621, %dma_wait3A_622] : memref<4x128xi32, #tpu.memory_space<vmem>> -> memref<1x128xi32, #tpu.memory_space<vmem>>
      %dma_wait3A_624 = tpu.memref_squeeze %dma_wait3A_623 : memref<1x128xi32, #tpu.memory_space<vmem>> -> memref<128xi32, #tpu.memory_space<vmem>>
      %dma_wait3A_625 = arith.constant 0 : i32
      %dma_wait3A_626 = tpu.memref_slice %arg2[%dma_wait3A_625] : memref<819200xi32, #tpu.memory_space<hbm>> -> memref<128xi32, #tpu.memory_space<hbm>>
      %dma_wait3A_627 = arith.constant 0 : i32
      %dma_wait3A_628 = tpu.memref_slice %arg5[%dma_wait3A_621, %dma_wait3A_627] : memref<4x128xi32, #tpu.memory_space<vmem>> -> memref<1x128xi32, #tpu.memory_space<vmem>>
      %dma_wait3A_629 = tpu.memref_squeeze %dma_wait3A_628 : memref<1x128xi32, #tpu.memory_space<vmem>> -> memref<128xi32, #tpu.memory_space<vmem>>
      %dma_wait3A_630 = arith.constant 0 : i32
      %dma_wait3A_631 = tpu.memref_slice %arg2[%dma_wait3A_630] : memref<819200xi32, #tpu.memory_space<hbm>> -> memref<128xi32, #tpu.memory_space<hbm>>
      tpu.wait_dma2 semaphore(%arg8 : memref<!tpu.dma_semaphore, #tpu.memory_space<semaphore_mem>>) src(%dma_wait3A_631 : memref<128xi32, #tpu.memory_space<hbm>>) dst(%dma_wait3A_629 : memref<128xi32, #tpu.memory_space<vmem>>)
      %dma_wait3A_632 = arith.constant 0 : i32
      %dma_wait3A_633 = arith.constant 0 : i32
      %dma_wait3A_634 = arith.constant 0 : i32
      %dma_wait3A_635 = tpu.memref_slice %arg6[%dma_wait3A_632, %dma_wait3A_633, %dma_wait3A_634] : memref<4x128x128xf32, #tpu.memory_space<vmem>> -> memref<1x128x128xf32, #tpu.memory_space<vmem>>
      %dma_wait3A_636 = tpu.memref_squeeze %dma_wait3A_635 : memref<1x128x128xf32, #tpu.memory_space<vmem>> -> memref<128x128xf32, #tpu.memory_space<vmem>>
      %dma_wait3A_637 = arith.constant 0 : i32
      %dma_wait3A_638 = arith.constant 0 : i32
      %dma_wait3A_639 = tpu.memref_slice %arg4[%dma_wait3A_637, %dma_wait3A_638] : memref<819200x128xf32, #tpu.memory_space<hbm>> -> memref<128x128xf32, #tpu.memory_space<hbm>>
      %dma_wait3A_640 = arith.constant 0 : i32
      %dma_wait3A_641 = arith.constant 0 : i32
      %dma_wait3A_642 = tpu.memref_slice %arg4[%dma_wait3A_640, %dma_wait3A_641] : memref<819200x128xf32, #tpu.memory_space<hbm>> -> memref<128x128xf32, #tpu.memory_space<hbm>>
      %dma_wait3A_643 = arith.constant 0 : i32
      %dma_wait3A_644 = arith.constant 0 : i32
      %dma_wait3A_645 = tpu.memref_slice %arg6[%dma_wait3A_632, %dma_wait3A_643, %dma_wait3A_644] : memref<4x128x128xf32, #tpu.memory_space<vmem>> -> memref<1x128x128xf32, #tpu.memory_space<vmem>>
      %dma_wait3A_646 = tpu.memref_squeeze %dma_wait3A_645 : memref<1x128x128xf32, #tpu.memory_space<vmem>> -> memref<128x128xf32, #tpu.memory_space<vmem>>
      tpu.wait_dma2 semaphore(%arg16 : memref<!tpu.dma_semaphore, #tpu.memory_space<semaphore_mem>>) src(%dma_wait3A_646 : memref<128x128xf32, #tpu.memory_space<vmem>>) dst(%dma_wait3A_642 : memref<128x128xf32, #tpu.memory_space<hbm>>)
      %dma_start3A_647 = arith.constant 0 : i32
      %dma_start3A_648 = arith.constant 0 : i32
      %dma_start3A_649 = arith.constant 0 : i32
      %dma_start3A_650 = arith.constant 0 : i32
      %dma_start3A_651 = tpu.memref_slice %arg6[%dma_start3A_648, %dma_start3A_649, %dma_start3A_650] : memref<4x128x128xf32, #tpu.memory_space<vmem>> -> memref<1x128x128xf32, #tpu.memory_space<vmem>>
      %dma_start3A_652 = tpu.memref_squeeze %dma_start3A_651 : memref<1x128x128xf32, #tpu.memory_space<vmem>> -> memref<128x128xf32, #tpu.memory_space<vmem>>
      %dma_start3A_653 = arith.constant 0 : i32
      %dma_start3A_654 = tpu.memref_slice %arg5[%dma_start3A_647, %dma_start3A_653] : memref<4x128xi32, #tpu.memory_space<vmem>> -> memref<1x128xi32, #tpu.memory_space<vmem>>
      %dma_start3A_655 = tpu.memref_squeeze %dma_start3A_654 : memref<1x128xi32, #tpu.memory_space<vmem>> -> memref<128xi32, #tpu.memory_space<vmem>>
      %dma_start3A_656 = arith.constant 0 : i32
      %dma_start3A_657 = arith.constant 0 : i32
      %dma_start3A_658 = tpu.memref_slice %arg7[%dma_start3A_656, %dma_start3A_657] : memref<512x128xf32, #tpu.memory_space<vmem_shared>> -> memref<512x128xf32, #tpu.memory_space<vmem_shared>>
      tpu.enqueue_indirect_dma source(%dma_start3A_658 : memref<512x128xf32, #tpu.memory_space<vmem_shared>>) target(%dma_start3A_652 : memref<128x128xf32, #tpu.memory_space<vmem>>) offsets(%dma_start3A_655 : memref<128xi32, #tpu.memory_space<vmem>>) semaphore(%arg12 : memref<!tpu.dma_semaphore, #tpu.memory_space<semaphore_mem>>)
      %dma_wait3A_659 = arith.constant 3 : i32
      %dma_wait3A_660 = arith.constant 3 : i32
      %dma_wait3A_661 = arith.constant 0 : i32
      %dma_wait3A_662 = arith.constant 0 : i32
      %dma_wait3A_663 = tpu.memref_slice %arg6[%dma_wait3A_660, %dma_wait3A_661, %dma_wait3A_662] : memref<4x128x128xf32, #tpu.memory_space<vmem>> -> memref<1x128x128xf32, #tpu.memory_space<vmem>>
      %dma_wait3A_664 = tpu.memref_squeeze %dma_wait3A_663 : memref<1x128x128xf32, #tpu.memory_space<vmem>> -> memref<128x128xf32, #tpu.memory_space<vmem>>
      %dma_wait3A_665 = arith.constant 0 : i32
      %dma_wait3A_666 = tpu.memref_slice %arg5[%dma_wait3A_659, %dma_wait3A_665] : memref<4x128xi32, #tpu.memory_space<vmem>> -> memref<1x128xi32, #tpu.memory_space<vmem>>
      %dma_wait3A_667 = tpu.memref_squeeze %dma_wait3A_666 : memref<1x128xi32, #tpu.memory_space<vmem>> -> memref<128xi32, #tpu.memory_space<vmem>>
      %dma_wait3A_668 = arith.constant 0 : i32
      %dma_wait3A_669 = arith.constant 0 : i32
      %dma_wait3A_670 = tpu.memref_slice %arg7[%dma_wait3A_668, %dma_wait3A_669] : memref<512x128xf32, #tpu.memory_space<vmem_shared>> -> memref<512x128xf32, #tpu.memory_space<vmem_shared>>
      tpu.wait_indirect_dma semaphore(%arg15 : memref<!tpu.dma_semaphore, #tpu.memory_space<semaphore_mem>>) src(%dma_wait3A_670 : memref<512x128xf32, #tpu.memory_space<vmem_shared>>) dst(%dma_wait3A_664 : memref<128x128xf32, #tpu.memory_space<vmem>>)
      %sub3A = arith.constant 1 : i32
      %sub3A_671 = arith.subi %add3A_620, %sub3A : i32
      %mul3A_672 = arith.constant 128 : i32
      %mul3A_673 = arith.muli %sub3A_671, %mul3A_672 : i32
      %add3A_674 = arith.addi %mul3A_2, %mul3A_673 : i32
      %dma_start3A_675 = arith.constant 3 : i32
      %dma_start3A_676 = arith.constant 0 : i32
      %dma_start3A_677 = arith.constant 0 : i32
      %dma_start3A_678 = tpu.memref_slice %arg6[%dma_start3A_675, %dma_start3A_676, %dma_start3A_677] : memref<4x128x128xf32, #tpu.memory_space<vmem>> -> memref<1x128x128xf32, #tpu.memory_space<vmem>>
      %dma_start3A_679 = tpu.memref_squeeze %dma_start3A_678 : memref<1x128x128xf32, #tpu.memory_space<vmem>> -> memref<128x128xf32, #tpu.memory_space<vmem>>
      %dma_start3A_680 = arith.constant 0 : i32
      %dma_start3A_681 = tpu.memref_slice %arg4[%add3A_674, %dma_start3A_680] : memref<819200x128xf32, #tpu.memory_space<hbm>> -> memref<128x128xf32, #tpu.memory_space<hbm>>
      %dma_start3A_682 = arith.constant 0 : i32
      %dma_start3A_683 = tpu.memref_slice %arg4[%add3A_674, %dma_start3A_682] : memref<819200x128xf32, #tpu.memory_space<hbm>> -> memref<128x128xf32, #tpu.memory_space<hbm>>
      %dma_start3A_684 = arith.constant 0 : i32
      %dma_start3A_685 = arith.constant 0 : i32
      %dma_start3A_686 = tpu.memref_slice %arg6[%dma_start3A_675, %dma_start3A_684, %dma_start3A_685] : memref<4x128x128xf32, #tpu.memory_space<vmem>> -> memref<1x128x128xf32, #tpu.memory_space<vmem>>
      %dma_start3A_687 = tpu.memref_squeeze %dma_start3A_686 : memref<1x128x128xf32, #tpu.memory_space<vmem>> -> memref<128x128xf32, #tpu.memory_space<vmem>>
      tpu.enqueue_dma source(%dma_start3A_687 : memref<128x128xf32, #tpu.memory_space<vmem>>) target(%dma_start3A_683 : memref<128x128xf32, #tpu.memory_space<hbm>>) target_semaphore(%arg19 : memref<!tpu.dma_semaphore, #tpu.memory_space<semaphore_mem>>)
      %sub3A_688 = arith.constant 1 : i32
      %sub3A_689 = arith.subi %add3A_620, %sub3A_688 : i32
      %add3A_690 = arith.constant 4 : i32
      %add3A_691 = arith.addi %sub3A_689, %add3A_690 : i32
      %mul3A_692 = arith.constant 128 : i32
      %mul3A_693 = arith.muli %add3A_691, %mul3A_692 : i32
      %add3A_694 = arith.addi %mul3A_2, %mul3A_693 : i32
      %dma_start3A_695 = arith.constant 3 : i32
      %dma_start3A_696 = arith.constant 0 : i32
      %dma_start3A_697 = tpu.memref_slice %arg5[%dma_start3A_695, %dma_start3A_696] : memref<4x128xi32, #tpu.memory_space<vmem>> -> memref<1x128xi32, #tpu.memory_space<vmem>>
      %dma_start3A_698 = tpu.memref_squeeze %dma_start3A_697 : memref<1x128xi32, #tpu.memory_space<vmem>> -> memref<128xi32, #tpu.memory_space<vmem>>
      %dma_start3A_699 = tpu.memref_slice %arg2[%add3A_694] : memref<819200xi32, #tpu.memory_space<hbm>> -> memref<128xi32, #tpu.memory_space<hbm>>
      %dma_start3A_700 = arith.constant 0 : i32
      %dma_start3A_701 = tpu.memref_slice %arg5[%dma_start3A_695, %dma_start3A_700] : memref<4x128xi32, #tpu.memory_space<vmem>> -> memref<1x128xi32, #tpu.memory_space<vmem>>
      %dma_start3A_702 = tpu.memref_squeeze %dma_start3A_701 : memref<1x128xi32, #tpu.memory_space<vmem>> -> memref<128xi32, #tpu.memory_space<vmem>>
      %dma_start3A_703 = tpu.memref_slice %arg2[%add3A_694] : memref<819200xi32, #tpu.memory_space<hbm>> -> memref<128xi32, #tpu.memory_space<hbm>>
      tpu.enqueue_dma source(%dma_start3A_703 : memref<128xi32, #tpu.memory_space<hbm>>) target(%dma_start3A_702 : memref<128xi32, #tpu.memory_space<vmem>>) target_semaphore(%arg11 : memref<!tpu.dma_semaphore, #tpu.memory_space<semaphore_mem>>)
      %mul3A_704 = arith.constant 4 : i32
      %mul3A_705 = arith.muli %scan3A_616, %mul3A_704 : i32
      %add3A_706 = arith.constant 1 : i32
      %add3A_707 = arith.addi %mul3A_705, %add3A_706 : i32
      %dma_wait3A_708 = arith.constant 1 : i32
      %dma_wait3A_709 = arith.constant 0 : i32
      %dma_wait3A_710 = tpu.memref_slice %arg5[%dma_wait3A_708, %dma_wait3A_709] : memref<4x128xi32, #tpu.memory_space<vmem>> -> memref<1x128xi32, #tpu.memory_space<vmem>>
      %dma_wait3A_711 = tpu.memref_squeeze %dma_wait3A_710 : memref<1x128xi32, #tpu.memory_space<vmem>> -> memref<128xi32, #tpu.memory_space<vmem>>
      %dma_wait3A_712 = arith.constant 0 : i32
      %dma_wait3A_713 = tpu.memref_slice %arg2[%dma_wait3A_712] : memref<819200xi32, #tpu.memory_space<hbm>> -> memref<128xi32, #tpu.memory_space<hbm>>
      %dma_wait3A_714 = arith.constant 0 : i32
      %dma_wait3A_715 = tpu.memref_slice %arg5[%dma_wait3A_708, %dma_wait3A_714] : memref<4x128xi32, #tpu.memory_space<vmem>> -> memref<1x128xi32, #tpu.memory_space<vmem>>
      %dma_wait3A_716 = tpu.memref_squeeze %dma_wait3A_715 : memref<1x128xi32, #tpu.memory_space<vmem>> -> memref<128xi32, #tpu.memory_space<vmem>>
      %dma_wait3A_717 = arith.constant 0 : i32
      %dma_wait3A_718 = tpu.memref_slice %arg2[%dma_wait3A_717] : memref<819200xi32, #tpu.memory_space<hbm>> -> memref<128xi32, #tpu.memory_space<hbm>>
      tpu.wait_dma2 semaphore(%arg9 : memref<!tpu.dma_semaphore, #tpu.memory_space<semaphore_mem>>) src(%dma_wait3A_718 : memref<128xi32, #tpu.memory_space<hbm>>) dst(%dma_wait3A_716 : memref<128xi32, #tpu.memory_space<vmem>>)
      %dma_wait3A_719 = arith.constant 1 : i32
      %dma_wait3A_720 = arith.constant 0 : i32
      %dma_wait3A_721 = arith.constant 0 : i32
      %dma_wait3A_722 = tpu.memref_slice %arg6[%dma_wait3A_719, %dma_wait3A_720, %dma_wait3A_721] : memref<4x128x128xf32, #tpu.memory_space<vmem>> -> memref<1x128x128xf32, #tpu.memory_space<vmem>>
      %dma_wait3A_723 = tpu.memref_squeeze %dma_wait3A_722 : memref<1x128x128xf32, #tpu.memory_space<vmem>> -> memref<128x128xf32, #tpu.memory_space<vmem>>
      %dma_wait3A_724 = arith.constant 0 : i32
      %dma_wait3A_725 = arith.constant 0 : i32
      %dma_wait3A_726 = tpu.memref_slice %arg4[%dma_wait3A_724, %dma_wait3A_725] : memref<819200x128xf32, #tpu.memory_space<hbm>> -> memref<128x128xf32, #tpu.memory_space<hbm>>
      %dma_wait3A_727 = arith.constant 0 : i32
      %dma_wait3A_728 = arith.constant 0 : i32
      %dma_wait3A_729 = tpu.memref_slice %arg4[%dma_wait3A_727, %dma_wait3A_728] : memref<819200x128xf32, #tpu.memory_space<hbm>> -> memref<128x128xf32, #tpu.memory_space<hbm>>
      %dma_wait3A_730 = arith.constant 0 : i32
      %dma_wait3A_731 = arith.constant 0 : i32
      %dma_wait3A_732 = tpu.memref_slice %arg6[%dma_wait3A_719, %dma_wait3A_730, %dma_wait3A_731] : memref<4x128x128xf32, #tpu.memory_space<vmem>> -> memref<1x128x128xf32, #tpu.memory_space<vmem>>
      %dma_wait3A_733 = tpu.memref_squeeze %dma_wait3A_732 : memref<1x128x128xf32, #tpu.memory_space<vmem>> -> memref<128x128xf32, #tpu.memory_space<vmem>>
      tpu.wait_dma2 semaphore(%arg17 : memref<!tpu.dma_semaphore, #tpu.memory_space<semaphore_mem>>) src(%dma_wait3A_733 : memref<128x128xf32, #tpu.memory_space<vmem>>) dst(%dma_wait3A_729 : memref<128x128xf32, #tpu.memory_space<hbm>>)
      %dma_start3A_734 = arith.constant 1 : i32
      %dma_start3A_735 = arith.constant 1 : i32
      %dma_start3A_736 = arith.constant 0 : i32
      %dma_start3A_737 = arith.constant 0 : i32
      %dma_start3A_738 = tpu.memref_slice %arg6[%dma_start3A_735, %dma_start3A_736, %dma_start3A_737] : memref<4x128x128xf32, #tpu.memory_space<vmem>> -> memref<1x128x128xf32, #tpu.memory_space<vmem>>
      %dma_start3A_739 = tpu.memref_squeeze %dma_start3A_738 : memref<1x128x128xf32, #tpu.memory_space<vmem>> -> memref<128x128xf32, #tpu.memory_space<vmem>>
      %dma_start3A_740 = arith.constant 0 : i32
      %dma_start3A_741 = tpu.memref_slice %arg5[%dma_start3A_734, %dma_start3A_740] : memref<4x128xi32, #tpu.memory_space<vmem>> -> memref<1x128xi32, #tpu.memory_space<vmem>>
      %dma_start3A_742 = tpu.memref_squeeze %dma_start3A_741 : memref<1x128xi32, #tpu.memory_space<vmem>> -> memref<128xi32, #tpu.memory_space<vmem>>
      %dma_start3A_743 = arith.constant 0 : i32
      %dma_start3A_744 = arith.constant 0 : i32
      %dma_start3A_745 = tpu.memref_slice %arg7[%dma_start3A_743, %dma_start3A_744] : memref<512x128xf32, #tpu.memory_space<vmem_shared>> -> memref<512x128xf32, #tpu.memory_space<vmem_shared>>
      tpu.enqueue_indirect_dma source(%dma_start3A_745 : memref<512x128xf32, #tpu.memory_space<vmem_shared>>) target(%dma_start3A_739 : memref<128x128xf32, #tpu.memory_space<vmem>>) offsets(%dma_start3A_742 : memref<128xi32, #tpu.memory_space<vmem>>) semaphore(%arg13 : memref<!tpu.dma_semaphore, #tpu.memory_space<semaphore_mem>>)
      %dma_wait3A_746 = arith.constant 0 : i32
      %dma_wait3A_747 = arith.constant 0 : i32
      %dma_wait3A_748 = arith.constant 0 : i32
      %dma_wait3A_749 = arith.constant 0 : i32
      %dma_wait3A_750 = tpu.memref_slice %arg6[%dma_wait3A_747, %dma_wait3A_748, %dma_wait3A_749] : memref<4x128x128xf32, #tpu.memory_space<vmem>> -> memref<1x128x128xf32, #tpu.memory_space<vmem>>
      %dma_wait3A_751 = tpu.memref_squeeze %dma_wait3A_750 : memref<1x128x128xf32, #tpu.memory_space<vmem>> -> memref<128x128xf32, #tpu.memory_space<vmem>>
      %dma_wait3A_752 = arith.constant 0 : i32
      %dma_wait3A_753 = tpu.memref_slice %arg5[%dma_wait3A_746, %dma_wait3A_752] : memref<4x128xi32, #tpu.memory_space<vmem>> -> memref<1x128xi32, #tpu.memory_space<vmem>>
      %dma_wait3A_754 = tpu.memref_squeeze %dma_wait3A_753 : memref<1x128xi32, #tpu.memory_space<vmem>> -> memref<128xi32, #tpu.memory_space<vmem>>
      %dma_wait3A_755 = arith.constant 0 : i32
      %dma_wait3A_756 = arith.constant 0 : i32
      %dma_wait3A_757 = tpu.memref_slice %arg7[%dma_wait3A_755, %dma_wait3A_756] : memref<512x128xf32, #tpu.memory_space<vmem_shared>> -> memref<512x128xf32, #tpu.memory_space<vmem_shared>>
      tpu.wait_indirect_dma semaphore(%arg12 : memref<!tpu.dma_semaphore, #tpu.memory_space<semaphore_mem>>) src(%dma_wait3A_757 : memref<512x128xf32, #tpu.memory_space<vmem_shared>>) dst(%dma_wait3A_751 : memref<128x128xf32, #tpu.memory_space<vmem>>)
      %sub3A_758 = arith.constant 1 : i32
      %sub3A_759 = arith.subi %add3A_707, %sub3A_758 : i32
      %mul3A_760 = arith.constant 128 : i32
      %mul3A_761 = arith.muli %sub3A_759, %mul3A_760 : i32
      %add3A_762 = arith.addi %mul3A_2, %mul3A_761 : i32
      %dma_start3A_763 = arith.constant 0 : i32
      %dma_start3A_764 = arith.constant 0 : i32
      %dma_start3A_765 = arith.constant 0 : i32
      %dma_start3A_766 = tpu.memref_slice %arg6[%dma_start3A_763, %dma_start3A_764, %dma_start3A_765] : memref<4x128x128xf32, #tpu.memory_space<vmem>> -> memref<1x128x128xf32, #tpu.memory_space<vmem>>
      %dma_start3A_767 = tpu.memref_squeeze %dma_start3A_766 : memref<1x128x128xf32, #tpu.memory_space<vmem>> -> memref<128x128xf32, #tpu.memory_space<vmem>>
      %dma_start3A_768 = arith.constant 0 : i32
      %dma_start3A_769 = tpu.memref_slice %arg4[%add3A_762, %dma_start3A_768] : memref<819200x128xf32, #tpu.memory_space<hbm>> -> memref<128x128xf32, #tpu.memory_space<hbm>>
      %dma_start3A_770 = arith.constant 0 : i32
      %dma_start3A_771 = tpu.memref_slice %arg4[%add3A_762, %dma_start3A_770] : memref<819200x128xf32, #tpu.memory_space<hbm>> -> memref<128x128xf32, #tpu.memory_space<hbm>>
      %dma_start3A_772 = arith.constant 0 : i32
      %dma_start3A_773 = arith.constant 0 : i32
      %dma_start3A_774 = tpu.memref_slice %arg6[%dma_start3A_763, %dma_start3A_772, %dma_start3A_773] : memref<4x128x128xf32, #tpu.memory_space<vmem>> -> memref<1x128x128xf32, #tpu.memory_space<vmem>>
      %dma_start3A_775 = tpu.memref_squeeze %dma_start3A_774 : memref<1x128x128xf32, #tpu.memory_space<vmem>> -> memref<128x128xf32, #tpu.memory_space<vmem>>
      tpu.enqueue_dma source(%dma_start3A_775 : memref<128x128xf32, #tpu.memory_space<vmem>>) target(%dma_start3A_771 : memref<128x128xf32, #tpu.memory_space<hbm>>) target_semaphore(%arg16 : memref<!tpu.dma_semaphore, #tpu.memory_space<semaphore_mem>>)
      %sub3A_776 = arith.constant 1 : i32
      %sub3A_777 = arith.subi %add3A_707, %sub3A_776 : i32
      %add3A_778 = arith.constant 4 : i32
      %add3A_779 = arith.addi %sub3A_777, %add3A_778 : i32
      %mul3A_780 = arith.constant 128 : i32
      %mul3A_781 = arith.muli %add3A_779, %mul3A_780 : i32
      %add3A_782 = arith.addi %mul3A_2, %mul3A_781 : i32
      %dma_start3A_783 = arith.constant 0 : i32
      %dma_start3A_784 = arith.constant 0 : i32
      %dma_start3A_785 = tpu.memref_slice %arg5[%dma_start3A_783, %dma_start3A_784] : memref<4x128xi32, #tpu.memory_space<vmem>> -> memref<1x128xi32, #tpu.memory_space<vmem>>
      %dma_start3A_786 = tpu.memref_squeeze %dma_start3A_785 : memref<1x128xi32, #tpu.memory_space<vmem>> -> memref<128xi32, #tpu.memory_space<vmem>>
      %dma_start3A_787 = tpu.memref_slice %arg2[%add3A_782] : memref<819200xi32, #tpu.memory_space<hbm>> -> memref<128xi32, #tpu.memory_space<hbm>>
      %dma_start3A_788 = arith.constant 0 : i32
      %dma_start3A_789 = tpu.memref_slice %arg5[%dma_start3A_783, %dma_start3A_788] : memref<4x128xi32, #tpu.memory_space<vmem>> -> memref<1x128xi32, #tpu.memory_space<vmem>>
      %dma_start3A_790 = tpu.memref_squeeze %dma_start3A_789 : memref<1x128xi32, #tpu.memory_space<vmem>> -> memref<128xi32, #tpu.memory_space<vmem>>
      %dma_start3A_791 = tpu.memref_slice %arg2[%add3A_782] : memref<819200xi32, #tpu.memory_space<hbm>> -> memref<128xi32, #tpu.memory_space<hbm>>
      tpu.enqueue_dma source(%dma_start3A_791 : memref<128xi32, #tpu.memory_space<hbm>>) target(%dma_start3A_790 : memref<128xi32, #tpu.memory_space<vmem>>) target_semaphore(%arg8 : memref<!tpu.dma_semaphore, #tpu.memory_space<semaphore_mem>>)
      %mul3A_792 = arith.constant 4 : i32
      %mul3A_793 = arith.muli %scan3A_616, %mul3A_792 : i32
      %add3A_794 = arith.constant 2 : i32
      %add3A_795 = arith.addi %mul3A_793, %add3A_794 : i32
      %dma_wait3A_796 = arith.constant 2 : i32
      %dma_wait3A_797 = arith.constant 0 : i32
      %dma_wait3A_798 = tpu.memref_slice %arg5[%dma_wait3A_796, %dma_wait3A_797] : memref<4x128xi32, #tpu.memory_space<vmem>> -> memref<1x128xi32, #tpu.memory_space<vmem>>
      %dma_wait3A_799 = tpu.memref_squeeze %dma_wait3A_798 : memref<1x128xi32, #tpu.memory_space<vmem>> -> memref<128xi32, #tpu.memory_space<vmem>>
      %dma_wait3A_800 = arith.constant 0 : i32
      %dma_wait3A_801 = tpu.memref_slice %arg2[%dma_wait3A_800] : memref<819200xi32, #tpu.memory_space<hbm>> -> memref<128xi32, #tpu.memory_space<hbm>>
      %dma_wait3A_802 = arith.constant 0 : i32
      %dma_wait3A_803 = tpu.memref_slice %arg5[%dma_wait3A_796, %dma_wait3A_802] : memref<4x128xi32, #tpu.memory_space<vmem>> -> memref<1x128xi32, #tpu.memory_space<vmem>>
      %dma_wait3A_804 = tpu.memref_squeeze %dma_wait3A_803 : memref<1x128xi32, #tpu.memory_space<vmem>> -> memref<128xi32, #tpu.memory_space<vmem>>
      %dma_wait3A_805 = arith.constant 0 : i32
      %dma_wait3A_806 = tpu.memref_slice %arg2[%dma_wait3A_805] : memref<819200xi32, #tpu.memory_space<hbm>> -> memref<128xi32, #tpu.memory_space<hbm>>
      tpu.wait_dma2 semaphore(%arg10 : memref<!tpu.dma_semaphore, #tpu.memory_space<semaphore_mem>>) src(%dma_wait3A_806 : memref<128xi32, #tpu.memory_space<hbm>>) dst(%dma_wait3A_804 : memref<128xi32, #tpu.memory_space<vmem>>)
      %dma_wait3A_807 = arith.constant 2 : i32
      %dma_wait3A_808 = arith.constant 0 : i32
      %dma_wait3A_809 = arith.constant 0 : i32
      %dma_wait3A_810 = tpu.memref_slice %arg6[%dma_wait3A_807, %dma_wait3A_808, %dma_wait3A_809] : memref<4x128x128xf32, #tpu.memory_space<vmem>> -> memref<1x128x128xf32, #tpu.memory_space<vmem>>
      %dma_wait3A_811 = tpu.memref_squeeze %dma_wait3A_810 : memref<1x128x128xf32, #tpu.memory_space<vmem>> -> memref<128x128xf32, #tpu.memory_space<vmem>>
      %dma_wait3A_812 = arith.constant 0 : i32
      %dma_wait3A_813 = arith.constant 0 : i32
      %dma_wait3A_814 = tpu.memref_slice %arg4[%dma_wait3A_812, %dma_wait3A_813] : memref<819200x128xf32, #tpu.memory_space<hbm>> -> memref<128x128xf32, #tpu.memory_space<hbm>>
      %dma_wait3A_815 = arith.constant 0 : i32
      %dma_wait3A_816 = arith.constant 0 : i32
      %dma_wait3A_817 = tpu.memref_slice %arg4[%dma_wait3A_815, %dma_wait3A_816] : memref<819200x128xf32, #tpu.memory_space<hbm>> -> memref<128x128xf32, #tpu.memory_space<hbm>>
      %dma_wait3A_818 = arith.constant 0 : i32
      %dma_wait3A_819 = arith.constant 0 : i32
      %dma_wait3A_820 = tpu.memref_slice %arg6[%dma_wait3A_807, %dma_wait3A_818, %dma_wait3A_819] : memref<4x128x128xf32, #tpu.memory_space<vmem>> -> memref<1x128x128xf32, #tpu.memory_space<vmem>>
      %dma_wait3A_821 = tpu.memref_squeeze %dma_wait3A_820 : memref<1x128x128xf32, #tpu.memory_space<vmem>> -> memref<128x128xf32, #tpu.memory_space<vmem>>
      tpu.wait_dma2 semaphore(%arg18 : memref<!tpu.dma_semaphore, #tpu.memory_space<semaphore_mem>>) src(%dma_wait3A_821 : memref<128x128xf32, #tpu.memory_space<vmem>>) dst(%dma_wait3A_817 : memref<128x128xf32, #tpu.memory_space<hbm>>)
      %dma_start3A_822 = arith.constant 2 : i32
      %dma_start3A_823 = arith.constant 2 : i32
      %dma_start3A_824 = arith.constant 0 : i32
      %dma_start3A_825 = arith.constant 0 : i32
      %dma_start3A_826 = tpu.memref_slice %arg6[%dma_start3A_823, %dma_start3A_824, %dma_start3A_825] : memref<4x128x128xf32, #tpu.memory_space<vmem>> -> memref<1x128x128xf32, #tpu.memory_space<vmem>>
      %dma_start3A_827 = tpu.memref_squeeze %dma_start3A_826 : memref<1x128x128xf32, #tpu.memory_space<vmem>> -> memref<128x128xf32, #tpu.memory_space<vmem>>
      %dma_start3A_828 = arith.constant 0 : i32
      %dma_start3A_829 = tpu.memref_slice %arg5[%dma_start3A_822, %dma_start3A_828] : memref<4x128xi32, #tpu.memory_space<vmem>> -> memref<1x128xi32, #tpu.memory_space<vmem>>
      %dma_start3A_830 = tpu.memref_squeeze %dma_start3A_829 : memref<1x128xi32, #tpu.memory_space<vmem>> -> memref<128xi32, #tpu.memory_space<vmem>>
      %dma_start3A_831 = arith.constant 0 : i32
      %dma_start3A_832 = arith.constant 0 : i32
      %dma_start3A_833 = tpu.memref_slice %arg7[%dma_start3A_831, %dma_start3A_832] : memref<512x128xf32, #tpu.memory_space<vmem_shared>> -> memref<512x128xf32, #tpu.memory_space<vmem_shared>>
      tpu.enqueue_indirect_dma source(%dma_start3A_833 : memref<512x128xf32, #tpu.memory_space<vmem_shared>>) target(%dma_start3A_827 : memref<128x128xf32, #tpu.memory_space<vmem>>) offsets(%dma_start3A_830 : memref<128xi32, #tpu.memory_space<vmem>>) semaphore(%arg14 : memref<!tpu.dma_semaphore, #tpu.memory_space<semaphore_mem>>)
      %dma_wait3A_834 = arith.constant 1 : i32
      %dma_wait3A_835 = arith.constant 1 : i32
      %dma_wait3A_836 = arith.constant 0 : i32
      %dma_wait3A_837 = arith.constant 0 : i32
      %dma_wait3A_838 = tpu.memref_slice %arg6[%dma_wait3A_835, %dma_wait3A_836, %dma_wait3A_837] : memref<4x128x128xf32, #tpu.memory_space<vmem>> -> memref<1x128x128xf32, #tpu.memory_space<vmem>>
      %dma_wait3A_839 = tpu.memref_squeeze %dma_wait3A_838 : memref<1x128x128xf32, #tpu.memory_space<vmem>> -> memref<128x128xf32, #tpu.memory_space<vmem>>
      %dma_wait3A_840 = arith.constant 0 : i32
      %dma_wait3A_841 = tpu.memref_slice %arg5[%dma_wait3A_834, %dma_wait3A_840] : memref<4x128xi32, #tpu.memory_space<vmem>> -> memref<1x128xi32, #tpu.memory_space<vmem>>
      %dma_wait3A_842 = tpu.memref_squeeze %dma_wait3A_841 : memref<1x128xi32, #tpu.memory_space<vmem>> -> memref<128xi32, #tpu.memory_space<vmem>>
      %dma_wait3A_843 = arith.constant 0 : i32
      %dma_wait3A_844 = arith.constant 0 : i32
      %dma_wait3A_845 = tpu.memref_slice %arg7[%dma_wait3A_843, %dma_wait3A_844] : memref<512x128xf32, #tpu.memory_space<vmem_shared>> -> memref<512x128xf32, #tpu.memory_space<vmem_shared>>
      tpu.wait_indirect_dma semaphore(%arg13 : memref<!tpu.dma_semaphore, #tpu.memory_space<semaphore_mem>>) src(%dma_wait3A_845 : memref<512x128xf32, #tpu.memory_space<vmem_shared>>) dst(%dma_wait3A_839 : memref<128x128xf32, #tpu.memory_space<vmem>>)
      %sub3A_846 = arith.constant 1 : i32
      %sub3A_847 = arith.subi %add3A_795, %sub3A_846 : i32
      %mul3A_848 = arith.constant 128 : i32
      %mul3A_849 = arith.muli %sub3A_847, %mul3A_848 : i32
      %add3A_850 = arith.addi %mul3A_2, %mul3A_849 : i32
      %dma_start3A_851 = arith.constant 1 : i32
      %dma_start3A_852 = arith.constant 0 : i32
      %dma_start3A_853 = arith.constant 0 : i32
      %dma_start3A_854 = tpu.memref_slice %arg6[%dma_start3A_851, %dma_start3A_852, %dma_start3A_853] : memref<4x128x128xf32, #tpu.memory_space<vmem>> -> memref<1x128x128xf32, #tpu.memory_space<vmem>>
      %dma_start3A_855 = tpu.memref_squeeze %dma_start3A_854 : memref<1x128x128xf32, #tpu.memory_space<vmem>> -> memref<128x128xf32, #tpu.memory_space<vmem>>
      %dma_start3A_856 = arith.constant 0 : i32
      %dma_start3A_857 = tpu.memref_slice %arg4[%add3A_850, %dma_start3A_856] : memref<819200x128xf32, #tpu.memory_space<hbm>> -> memref<128x128xf32, #tpu.memory_space<hbm>>
      %dma_start3A_858 = arith.constant 0 : i32
      %dma_start3A_859 = tpu.memref_slice %arg4[%add3A_850, %dma_start3A_858] : memref<819200x128xf32, #tpu.memory_space<hbm>> -> memref<128x128xf32, #tpu.memory_space<hbm>>
      %dma_start3A_860 = arith.constant 0 : i32
      %dma_start3A_861 = arith.constant 0 : i32
      %dma_start3A_862 = tpu.memref_slice %arg6[%dma_start3A_851, %dma_start3A_860, %dma_start3A_861] : memref<4x128x128xf32, #tpu.memory_space<vmem>> -> memref<1x128x128xf32, #tpu.memory_space<vmem>>
      %dma_start3A_863 = tpu.memref_squeeze %dma_start3A_862 : memref<1x128x128xf32, #tpu.memory_space<vmem>> -> memref<128x128xf32, #tpu.memory_space<vmem>>
      tpu.enqueue_dma source(%dma_start3A_863 : memref<128x128xf32, #tpu.memory_space<vmem>>) target(%dma_start3A_859 : memref<128x128xf32, #tpu.memory_space<hbm>>) target_semaphore(%arg17 : memref<!tpu.dma_semaphore, #tpu.memory_space<semaphore_mem>>)
      %sub3A_864 = arith.constant 1 : i32
      %sub3A_865 = arith.subi %add3A_795, %sub3A_864 : i32
      %add3A_866 = arith.constant 4 : i32
      %add3A_867 = arith.addi %sub3A_865, %add3A_866 : i32
      %mul3A_868 = arith.constant 128 : i32
      %mul3A_869 = arith.muli %add3A_867, %mul3A_868 : i32
      %add3A_870 = arith.addi %mul3A_2, %mul3A_869 : i32
      %dma_start3A_871 = arith.constant 1 : i32
      %dma_start3A_872 = arith.constant 0 : i32
      %dma_start3A_873 = tpu.memref_slice %arg5[%dma_start3A_871, %dma_start3A_872] : memref<4x128xi32, #tpu.memory_space<vmem>> -> memref<1x128xi32, #tpu.memory_space<vmem>>
      %dma_start3A_874 = tpu.memref_squeeze %dma_start3A_873 : memref<1x128xi32, #tpu.memory_space<vmem>> -> memref<128xi32, #tpu.memory_space<vmem>>
      %dma_start3A_875 = tpu.memref_slice %arg2[%add3A_870] : memref<819200xi32, #tpu.memory_space<hbm>> -> memref<128xi32, #tpu.memory_space<hbm>>
      %dma_start3A_876 = arith.constant 0 : i32
      %dma_start3A_877 = tpu.memref_slice %arg5[%dma_start3A_871, %dma_start3A_876] : memref<4x128xi32, #tpu.memory_space<vmem>> -> memref<1x128xi32, #tpu.memory_space<vmem>>
      %dma_start3A_878 = tpu.memref_squeeze %dma_start3A_877 : memref<1x128xi32, #tpu.memory_space<vmem>> -> memref<128xi32, #tpu.memory_space<vmem>>
      %dma_start3A_879 = tpu.memref_slice %arg2[%add3A_870] : memref<819200xi32, #tpu.memory_space<hbm>> -> memref<128xi32, #tpu.memory_space<hbm>>
      tpu.enqueue_dma source(%dma_start3A_879 : memref<128xi32, #tpu.memory_space<hbm>>) target(%dma_start3A_878 : memref<128xi32, #tpu.memory_space<vmem>>) target_semaphore(%arg9 : memref<!tpu.dma_semaphore, #tpu.memory_space<semaphore_mem>>)
      %mul3A_880 = arith.constant 4 : i32
      %mul3A_881 = arith.muli %scan3A_616, %mul3A_880 : i32
      %add3A_882 = arith.constant 3 : i32
      %add3A_883 = arith.addi %mul3A_881, %add3A_882 : i32
      %dma_wait3A_884 = arith.constant 3 : i32
      %dma_wait3A_885 = arith.constant 0 : i32
      %dma_wait3A_886 = tpu.memref_slice %arg5[%dma_wait3A_884, %dma_wait3A_885] : memref<4x128xi32, #tpu.memory_space<vmem>> -> memref<1x128xi32, #tpu.memory_space<vmem>>
      %dma_wait3A_887 = tpu.memref_squeeze %dma_wait3A_886 : memref<1x128xi32, #tpu.memory_space<vmem>> -> memref<128xi32, #tpu.memory_space<vmem>>
      %dma_wait3A_888 = arith.constant 0 : i32
      %dma_wait3A_889 = tpu.memref_slice %arg2[%dma_wait3A_888] : memref<819200xi32, #tpu.memory_space<hbm>> -> memref<128xi32, #tpu.memory_space<hbm>>
      %dma_wait3A_890 = arith.constant 0 : i32
      %dma_wait3A_891 = tpu.memref_slice %arg5[%dma_wait3A_884, %dma_wait3A_890] : memref<4x128xi32, #tpu.memory_space<vmem>> -> memref<1x128xi32, #tpu.memory_space<vmem>>
      %dma_wait3A_892 = tpu.memref_squeeze %dma_wait3A_891 : memref<1x128xi32, #tpu.memory_space<vmem>> -> memref<128xi32, #tpu.memory_space<vmem>>
      %dma_wait3A_893 = arith.constant 0 : i32
      %dma_wait3A_894 = tpu.memref_slice %arg2[%dma_wait3A_893] : memref<819200xi32, #tpu.memory_space<hbm>> -> memref<128xi32, #tpu.memory_space<hbm>>
      tpu.wait_dma2 semaphore(%arg11 : memref<!tpu.dma_semaphore, #tpu.memory_space<semaphore_mem>>) src(%dma_wait3A_894 : memref<128xi32, #tpu.memory_space<hbm>>) dst(%dma_wait3A_892 : memref<128xi32, #tpu.memory_space<vmem>>)
      %dma_wait3A_895 = arith.constant 3 : i32
      %dma_wait3A_896 = arith.constant 0 : i32
      %dma_wait3A_897 = arith.constant 0 : i32
      %dma_wait3A_898 = tpu.memref_slice %arg6[%dma_wait3A_895, %dma_wait3A_896, %dma_wait3A_897] : memref<4x128x128xf32, #tpu.memory_space<vmem>> -> memref<1x128x128xf32, #tpu.memory_space<vmem>>
      %dma_wait3A_899 = tpu.memref_squeeze %dma_wait3A_898 : memref<1x128x128xf32, #tpu.memory_space<vmem>> -> memref<128x128xf32, #tpu.memory_space<vmem>>
      %dma_wait3A_900 = arith.constant 0 : i32
      %dma_wait3A_901 = arith.constant 0 : i32
      %dma_wait3A_902 = tpu.memref_slice %arg4[%dma_wait3A_900, %dma_wait3A_901] : memref<819200x128xf32, #tpu.memory_space<hbm>> -> memref<128x128xf32, #tpu.memory_space<hbm>>
      %dma_wait3A_903 = arith.constant 0 : i32
      %dma_wait3A_904 = arith.constant 0 : i32
      %dma_wait3A_905 = tpu.memref_slice %arg4[%dma_wait3A_903, %dma_wait3A_904] : memref<819200x128xf32, #tpu.memory_space<hbm>> -> memref<128x128xf32, #tpu.memory_space<hbm>>
      %dma_wait3A_906 = arith.constant 0 : i32
      %dma_wait3A_907 = arith.constant 0 : i32
      %dma_wait3A_908 = tpu.memref_slice %arg6[%dma_wait3A_895, %dma_wait3A_906, %dma_wait3A_907] : memref<4x128x128xf32, #tpu.memory_space<vmem>> -> memref<1x128x128xf32, #tpu.memory_space<vmem>>
      %dma_wait3A_909 = tpu.memref_squeeze %dma_wait3A_908 : memref<1x128x128xf32, #tpu.memory_space<vmem>> -> memref<128x128xf32, #tpu.memory_space<vmem>>
      tpu.wait_dma2 semaphore(%arg19 : memref<!tpu.dma_semaphore, #tpu.memory_space<semaphore_mem>>) src(%dma_wait3A_909 : memref<128x128xf32, #tpu.memory_space<vmem>>) dst(%dma_wait3A_905 : memref<128x128xf32, #tpu.memory_space<hbm>>)
      %dma_start3A_910 = arith.constant 3 : i32
      %dma_start3A_911 = arith.constant 3 : i32
      %dma_start3A_912 = arith.constant 0 : i32
      %dma_start3A_913 = arith.constant 0 : i32
      %dma_start3A_914 = tpu.memref_slice %arg6[%dma_start3A_911, %dma_start3A_912, %dma_start3A_913] : memref<4x128x128xf32, #tpu.memory_space<vmem>> -> memref<1x128x128xf32, #tpu.memory_space<vmem>>
      %dma_start3A_915 = tpu.memref_squeeze %dma_start3A_914 : memref<1x128x128xf32, #tpu.memory_space<vmem>> -> memref<128x128xf32, #tpu.memory_space<vmem>>
      %dma_start3A_916 = arith.constant 0 : i32
      %dma_start3A_917 = tpu.memref_slice %arg5[%dma_start3A_910, %dma_start3A_916] : memref<4x128xi32, #tpu.memory_space<vmem>> -> memref<1x128xi32, #tpu.memory_space<vmem>>
      %dma_start3A_918 = tpu.memref_squeeze %dma_start3A_917 : memref<1x128xi32, #tpu.memory_space<vmem>> -> memref<128xi32, #tpu.memory_space<vmem>>
      %dma_start3A_919 = arith.constant 0 : i32
      %dma_start3A_920 = arith.constant 0 : i32
      %dma_start3A_921 = tpu.memref_slice %arg7[%dma_start3A_919, %dma_start3A_920] : memref<512x128xf32, #tpu.memory_space<vmem_shared>> -> memref<512x128xf32, #tpu.memory_space<vmem_shared>>
      tpu.enqueue_indirect_dma source(%dma_start3A_921 : memref<512x128xf32, #tpu.memory_space<vmem_shared>>) target(%dma_start3A_915 : memref<128x128xf32, #tpu.memory_space<vmem>>) offsets(%dma_start3A_918 : memref<128xi32, #tpu.memory_space<vmem>>) semaphore(%arg15 : memref<!tpu.dma_semaphore, #tpu.memory_space<semaphore_mem>>)
      %dma_wait3A_922 = arith.constant 2 : i32
      %dma_wait3A_923 = arith.constant 2 : i32
      %dma_wait3A_924 = arith.constant 0 : i32
      %dma_wait3A_925 = arith.constant 0 : i32
      %dma_wait3A_926 = tpu.memref_slice %arg6[%dma_wait3A_923, %dma_wait3A_924, %dma_wait3A_925] : memref<4x128x128xf32, #tpu.memory_space<vmem>> -> memref<1x128x128xf32, #tpu.memory_space<vmem>>
      %dma_wait3A_927 = tpu.memref_squeeze %dma_wait3A_926 : memref<1x128x128xf32, #tpu.memory_space<vmem>> -> memref<128x128xf32, #tpu.memory_space<vmem>>
      %dma_wait3A_928 = arith.constant 0 : i32
      %dma_wait3A_929 = tpu.memref_slice %arg5[%dma_wait3A_922, %dma_wait3A_928] : memref<4x128xi32, #tpu.memory_space<vmem>> -> memref<1x128xi32, #tpu.memory_space<vmem>>
      %dma_wait3A_930 = tpu.memref_squeeze %dma_wait3A_929 : memref<1x128xi32, #tpu.memory_space<vmem>> -> memref<128xi32, #tpu.memory_space<vmem>>
      %dma_wait3A_931 = arith.constant 0 : i32
      %dma_wait3A_932 = arith.constant 0 : i32
      %dma_wait3A_933 = tpu.memref_slice %arg7[%dma_wait3A_931, %dma_wait3A_932] : memref<512x128xf32, #tpu.memory_space<vmem_shared>> -> memref<512x128xf32, #tpu.memory_space<vmem_shared>>
      tpu.wait_indirect_dma semaphore(%arg14 : memref<!tpu.dma_semaphore, #tpu.memory_space<semaphore_mem>>) src(%dma_wait3A_933 : memref<512x128xf32, #tpu.memory_space<vmem_shared>>) dst(%dma_wait3A_927 : memref<128x128xf32, #tpu.memory_space<vmem>>)
      %sub3A_934 = arith.constant 1 : i32
      %sub3A_935 = arith.subi %add3A_883, %sub3A_934 : i32
      %mul3A_936 = arith.constant 128 : i32
      %mul3A_937 = arith.muli %sub3A_935, %mul3A_936 : i32
      %add3A_938 = arith.addi %mul3A_2, %mul3A_937 : i32
      %dma_start3A_939 = arith.constant 2 : i32
      %dma_start3A_940 = arith.constant 0 : i32
      %dma_start3A_941 = arith.constant 0 : i32
      %dma_start3A_942 = tpu.memref_slice %arg6[%dma_start3A_939, %dma_start3A_940, %dma_start3A_941] : memref<4x128x128xf32, #tpu.memory_space<vmem>> -> memref<1x128x128xf32, #tpu.memory_space<vmem>>
      %dma_start3A_943 = tpu.memref_squeeze %dma_start3A_942 : memref<1x128x128xf32, #tpu.memory_space<vmem>> -> memref<128x128xf32, #tpu.memory_space<vmem>>
      %dma_start3A_944 = arith.constant 0 : i32
      %dma_start3A_945 = tpu.memref_slice %arg4[%add3A_938, %dma_start3A_944] : memref<819200x128xf32, #tpu.memory_space<hbm>> -> memref<128x128xf32, #tpu.memory_space<hbm>>
      %dma_start3A_946 = arith.constant 0 : i32
      %dma_start3A_947 = tpu.memref_slice %arg4[%add3A_938, %dma_start3A_946] : memref<819200x128xf32, #tpu.memory_space<hbm>> -> memref<128x128xf32, #tpu.memory_space<hbm>>
      %dma_start3A_948 = arith.constant 0 : i32
      %dma_start3A_949 = arith.constant 0 : i32
      %dma_start3A_950 = tpu.memref_slice %arg6[%dma_start3A_939, %dma_start3A_948, %dma_start3A_949] : memref<4x128x128xf32, #tpu.memory_space<vmem>> -> memref<1x128x128xf32, #tpu.memory_space<vmem>>
      %dma_start3A_951 = tpu.memref_squeeze %dma_start3A_950 : memref<1x128x128xf32, #tpu.memory_space<vmem>> -> memref<128x128xf32, #tpu.memory_space<vmem>>
      tpu.enqueue_dma source(%dma_start3A_951 : memref<128x128xf32, #tpu.memory_space<vmem>>) target(%dma_start3A_947 : memref<128x128xf32, #tpu.memory_space<hbm>>) target_semaphore(%arg18 : memref<!tpu.dma_semaphore, #tpu.memory_space<semaphore_mem>>)
      %sub3A_952 = arith.constant 1 : i32
      %sub3A_953 = arith.subi %add3A_883, %sub3A_952 : i32
      %add3A_954 = arith.constant 4 : i32
      %add3A_955 = arith.addi %sub3A_953, %add3A_954 : i32
      %mul3A_956 = arith.constant 128 : i32
      %mul3A_957 = arith.muli %add3A_955, %mul3A_956 : i32
      %add3A_958 = arith.addi %mul3A_2, %mul3A_957 : i32
      %dma_start3A_959 = arith.constant 2 : i32
      %dma_start3A_960 = arith.constant 0 : i32
      %dma_start3A_961 = tpu.memref_slice %arg5[%dma_start3A_959, %dma_start3A_960] : memref<4x128xi32, #tpu.memory_space<vmem>> -> memref<1x128xi32, #tpu.memory_space<vmem>>
      %dma_start3A_962 = tpu.memref_squeeze %dma_start3A_961 : memref<1x128xi32, #tpu.memory_space<vmem>> -> memref<128xi32, #tpu.memory_space<vmem>>
      %dma_start3A_963 = tpu.memref_slice %arg2[%add3A_958] : memref<819200xi32, #tpu.memory_space<hbm>> -> memref<128xi32, #tpu.memory_space<hbm>>
      %dma_start3A_964 = arith.constant 0 : i32
      %dma_start3A_965 = tpu.memref_slice %arg5[%dma_start3A_959, %dma_start3A_964] : memref<4x128xi32, #tpu.memory_space<vmem>> -> memref<1x128xi32, #tpu.memory_space<vmem>>
      %dma_start3A_966 = tpu.memref_squeeze %dma_start3A_965 : memref<1x128xi32, #tpu.memory_space<vmem>> -> memref<128xi32, #tpu.memory_space<vmem>>
      %dma_start3A_967 = tpu.memref_slice %arg2[%add3A_958] : memref<819200xi32, #tpu.memory_space<hbm>> -> memref<128xi32, #tpu.memory_space<hbm>>
      tpu.enqueue_dma source(%dma_start3A_967 : memref<128xi32, #tpu.memory_space<hbm>>) target(%dma_start3A_966 : memref<128xi32, #tpu.memory_space<vmem>>) target_semaphore(%arg10 : memref<!tpu.dma_semaphore, #tpu.memory_space<semaphore_mem>>)
    }
    %scan3A_257 = arith.constant 48 : i32
    %dma_wait3A_258 = arith.constant 0 : i32
    %dma_wait3A_259 = arith.constant 0 : i32
    %dma_wait3A_260 = tpu.memref_slice %arg5[%dma_wait3A_258, %dma_wait3A_259] : memref<4x128xi32, #tpu.memory_space<vmem>> -> memref<1x128xi32, #tpu.memory_space<vmem>>
    %dma_wait3A_261 = tpu.memref_squeeze %dma_wait3A_260 : memref<1x128xi32, #tpu.memory_space<vmem>> -> memref<128xi32, #tpu.memory_space<vmem>>
    %dma_wait3A_262 = arith.constant 0 : i32
    %dma_wait3A_263 = tpu.memref_slice %arg2[%dma_wait3A_262] : memref<819200xi32, #tpu.memory_space<hbm>> -> memref<128xi32, #tpu.memory_space<hbm>>
    %dma_wait3A_264 = arith.constant 0 : i32
    %dma_wait3A_265 = tpu.memref_slice %arg5[%dma_wait3A_258, %dma_wait3A_264] : memref<4x128xi32, #tpu.memory_space<vmem>> -> memref<1x128xi32, #tpu.memory_space<vmem>>
    %dma_wait3A_266 = tpu.memref_squeeze %dma_wait3A_265 : memref<1x128xi32, #tpu.memory_space<vmem>> -> memref<128xi32, #tpu.memory_space<vmem>>
    %dma_wait3A_267 = arith.constant 0 : i32
    %dma_wait3A_268 = tpu.memref_slice %arg2[%dma_wait3A_267] : memref<819200xi32, #tpu.memory_space<hbm>> -> memref<128xi32, #tpu.memory_space<hbm>>
    tpu.wait_dma2 semaphore(%arg8 : memref<!tpu.dma_semaphore, #tpu.memory_space<semaphore_mem>>) src(%dma_wait3A_268 : memref<128xi32, #tpu.memory_space<hbm>>) dst(%dma_wait3A_266 : memref<128xi32, #tpu.memory_space<vmem>>)
    %dma_wait3A_269 = arith.constant 0 : i32
    %dma_wait3A_270 = arith.constant 0 : i32
    %dma_wait3A_271 = arith.constant 0 : i32
    %dma_wait3A_272 = tpu.memref_slice %arg6[%dma_wait3A_269, %dma_wait3A_270, %dma_wait3A_271] : memref<4x128x128xf32, #tpu.memory_space<vmem>> -> memref<1x128x128xf32, #tpu.memory_space<vmem>>
    %dma_wait3A_273 = tpu.memref_squeeze %dma_wait3A_272 : memref<1x128x128xf32, #tpu.memory_space<vmem>> -> memref<128x128xf32, #tpu.memory_space<vmem>>
    %dma_wait3A_274 = arith.constant 0 : i32
    %dma_wait3A_275 = arith.constant 0 : i32
    %dma_wait3A_276 = tpu.memref_slice %arg4[%dma_wait3A_274, %dma_wait3A_275] : memref<819200x128xf32, #tpu.memory_space<hbm>> -> memref<128x128xf32, #tpu.memory_space<hbm>>
    %dma_wait3A_277 = arith.constant 0 : i32
    %dma_wait3A_278 = arith.constant 0 : i32
    %dma_wait3A_279 = tpu.memref_slice %arg4[%dma_wait3A_277, %dma_wait3A_278] : memref<819200x128xf32, #tpu.memory_space<hbm>> -> memref<128x128xf32, #tpu.memory_space<hbm>>
    %dma_wait3A_280 = arith.constant 0 : i32
    %dma_wait3A_281 = arith.constant 0 : i32
    %dma_wait3A_282 = tpu.memref_slice %arg6[%dma_wait3A_269, %dma_wait3A_280, %dma_wait3A_281] : memref<4x128x128xf32, #tpu.memory_space<vmem>> -> memref<1x128x128xf32, #tpu.memory_space<vmem>>
    %dma_wait3A_283 = tpu.memref_squeeze %dma_wait3A_282 : memref<1x128x128xf32, #tpu.memory_space<vmem>> -> memref<128x128xf32, #tpu.memory_space<vmem>>
    tpu.wait_dma2 semaphore(%arg16 : memref<!tpu.dma_semaphore, #tpu.memory_space<semaphore_mem>>) src(%dma_wait3A_283 : memref<128x128xf32, #tpu.memory_space<vmem>>) dst(%dma_wait3A_279 : memref<128x128xf32, #tpu.memory_space<hbm>>)
    %dma_start3A_284 = arith.constant 0 : i32
    %dma_start3A_285 = arith.constant 0 : i32
    %dma_start3A_286 = arith.constant 0 : i32
    %dma_start3A_287 = arith.constant 0 : i32
    %dma_start3A_288 = tpu.memref_slice %arg6[%dma_start3A_285, %dma_start3A_286, %dma_start3A_287] : memref<4x128x128xf32, #tpu.memory_space<vmem>> -> memref<1x128x128xf32, #tpu.memory_space<vmem>>
    %dma_start3A_289 = tpu.memref_squeeze %dma_start3A_288 : memref<1x128x128xf32, #tpu.memory_space<vmem>> -> memref<128x128xf32, #tpu.memory_space<vmem>>
    %dma_start3A_290 = arith.constant 0 : i32
    %dma_start3A_291 = tpu.memref_slice %arg5[%dma_start3A_284, %dma_start3A_290] : memref<4x128xi32, #tpu.memory_space<vmem>> -> memref<1x128xi32, #tpu.memory_space<vmem>>
    %dma_start3A_292 = tpu.memref_squeeze %dma_start3A_291 : memref<1x128xi32, #tpu.memory_space<vmem>> -> memref<128xi32, #tpu.memory_space<vmem>>
    %dma_start3A_293 = arith.constant 0 : i32
    %dma_start3A_294 = arith.constant 0 : i32
    %dma_start3A_295 = tpu.memref_slice %arg7[%dma_start3A_293, %dma_start3A_294] : memref<512x128xf32, #tpu.memory_space<vmem_shared>> -> memref<512x128xf32, #tpu.memory_space<vmem_shared>>
    tpu.enqueue_indirect_dma source(%dma_start3A_295 : memref<512x128xf32, #tpu.memory_space<vmem_shared>>) target(%dma_start3A_289 : memref<128x128xf32, #tpu.memory_space<vmem>>) offsets(%dma_start3A_292 : memref<128xi32, #tpu.memory_space<vmem>>) semaphore(%arg12 : memref<!tpu.dma_semaphore, #tpu.memory_space<semaphore_mem>>)
    %dma_wait3A_296 = arith.constant 3 : i32
    %dma_wait3A_297 = arith.constant 3 : i32
    %dma_wait3A_298 = arith.constant 0 : i32
    %dma_wait3A_299 = arith.constant 0 : i32
    %dma_wait3A_300 = tpu.memref_slice %arg6[%dma_wait3A_297, %dma_wait3A_298, %dma_wait3A_299] : memref<4x128x128xf32, #tpu.memory_space<vmem>> -> memref<1x128x128xf32, #tpu.memory_space<vmem>>
    %dma_wait3A_301 = tpu.memref_squeeze %dma_wait3A_300 : memref<1x128x128xf32, #tpu.memory_space<vmem>> -> memref<128x128xf32, #tpu.memory_space<vmem>>
    %dma_wait3A_302 = arith.constant 0 : i32
    %dma_wait3A_303 = tpu.memref_slice %arg5[%dma_wait3A_296, %dma_wait3A_302] : memref<4x128xi32, #tpu.memory_space<vmem>> -> memref<1x128xi32, #tpu.memory_space<vmem>>
    %dma_wait3A_304 = tpu.memref_squeeze %dma_wait3A_303 : memref<1x128xi32, #tpu.memory_space<vmem>> -> memref<128xi32, #tpu.memory_space<vmem>>
    %dma_wait3A_305 = arith.constant 0 : i32
    %dma_wait3A_306 = arith.constant 0 : i32
    %dma_wait3A_307 = tpu.memref_slice %arg7[%dma_wait3A_305, %dma_wait3A_306] : memref<512x128xf32, #tpu.memory_space<vmem_shared>> -> memref<512x128xf32, #tpu.memory_space<vmem_shared>>
    tpu.wait_indirect_dma semaphore(%arg15 : memref<!tpu.dma_semaphore, #tpu.memory_space<semaphore_mem>>) src(%dma_wait3A_307 : memref<512x128xf32, #tpu.memory_space<vmem_shared>>) dst(%dma_wait3A_301 : memref<128x128xf32, #tpu.memory_space<vmem>>)
    %add3A_308 = arith.constant 24960 : i32
    %add3A_309 = arith.addi %mul3A_2, %add3A_308 : i32
    %dma_start3A_310 = arith.constant 3 : i32
    %dma_start3A_311 = arith.constant 0 : i32
    %dma_start3A_312 = arith.constant 0 : i32
    %dma_start3A_313 = tpu.memref_slice %arg6[%dma_start3A_310, %dma_start3A_311, %dma_start3A_312] : memref<4x128x128xf32, #tpu.memory_space<vmem>> -> memref<1x128x128xf32, #tpu.memory_space<vmem>>
    %dma_start3A_314 = tpu.memref_squeeze %dma_start3A_313 : memref<1x128x128xf32, #tpu.memory_space<vmem>> -> memref<128x128xf32, #tpu.memory_space<vmem>>
    %dma_start3A_315 = arith.constant 0 : i32
    %dma_start3A_316 = tpu.memref_slice %arg4[%add3A_309, %dma_start3A_315] : memref<819200x128xf32, #tpu.memory_space<hbm>> -> memref<128x128xf32, #tpu.memory_space<hbm>>
    %dma_start3A_317 = arith.constant 0 : i32
    %dma_start3A_318 = tpu.memref_slice %arg4[%add3A_309, %dma_start3A_317] : memref<819200x128xf32, #tpu.memory_space<hbm>> -> memref<128x128xf32, #tpu.memory_space<hbm>>
    %dma_start3A_319 = arith.constant 0 : i32
    %dma_start3A_320 = arith.constant 0 : i32
    %dma_start3A_321 = tpu.memref_slice %arg6[%dma_start3A_310, %dma_start3A_319, %dma_start3A_320] : memref<4x128x128xf32, #tpu.memory_space<vmem>> -> memref<1x128x128xf32, #tpu.memory_space<vmem>>
    %dma_start3A_322 = tpu.memref_squeeze %dma_start3A_321 : memref<1x128x128xf32, #tpu.memory_space<vmem>> -> memref<128x128xf32, #tpu.memory_space<vmem>>
    tpu.enqueue_dma source(%dma_start3A_322 : memref<128x128xf32, #tpu.memory_space<vmem>>) target(%dma_start3A_318 : memref<128x128xf32, #tpu.memory_space<hbm>>) target_semaphore(%arg19 : memref<!tpu.dma_semaphore, #tpu.memory_space<semaphore_mem>>)
    %add3A_323 = arith.constant 25472 : i32
    %add3A_324 = arith.addi %mul3A_2, %add3A_323 : i32
    %dma_start3A_325 = arith.constant 3 : i32
    %dma_start3A_326 = arith.constant 0 : i32
    %dma_start3A_327 = tpu.memref_slice %arg5[%dma_start3A_325, %dma_start3A_326] : memref<4x128xi32, #tpu.memory_space<vmem>> -> memref<1x128xi32, #tpu.memory_space<vmem>>
    %dma_start3A_328 = tpu.memref_squeeze %dma_start3A_327 : memref<1x128xi32, #tpu.memory_space<vmem>> -> memref<128xi32, #tpu.memory_space<vmem>>
    %dma_start3A_329 = tpu.memref_slice %arg2[%add3A_324] : memref<819200xi32, #tpu.memory_space<hbm>> -> memref<128xi32, #tpu.memory_space<hbm>>
    %dma_start3A_330 = arith.constant 0 : i32
    %dma_start3A_331 = tpu.memref_slice %arg5[%dma_start3A_325, %dma_start3A_330] : memref<4x128xi32, #tpu.memory_space<vmem>> -> memref<1x128xi32, #tpu.memory_space<vmem>>
    %dma_start3A_332 = tpu.memref_squeeze %dma_start3A_331 : memref<1x128xi32, #tpu.memory_space<vmem>> -> memref<128xi32, #tpu.memory_space<vmem>>
    %dma_start3A_333 = tpu.memref_slice %arg2[%add3A_324] : memref<819200xi32, #tpu.memory_space<hbm>> -> memref<128xi32, #tpu.memory_space<hbm>>
    tpu.enqueue_dma source(%dma_start3A_333 : memref<128xi32, #tpu.memory_space<hbm>>) target(%dma_start3A_332 : memref<128xi32, #tpu.memory_space<vmem>>) target_semaphore(%arg11 : memref<!tpu.dma_semaphore, #tpu.memory_space<semaphore_mem>>)
    %dma_wait3A_334 = arith.constant 1 : i32
    %dma_wait3A_335 = arith.constant 0 : i32
    %dma_wait3A_336 = tpu.memref_slice %arg5[%dma_wait3A_334, %dma_wait3A_335] : memref<4x128xi32, #tpu.memory_space<vmem>> -> memref<1x128xi32, #tpu.memory_space<vmem>>
    %dma_wait3A_337 = tpu.memref_squeeze %dma_wait3A_336 : memref<1x128xi32, #tpu.memory_space<vmem>> -> memref<128xi32, #tpu.memory_space<vmem>>
    %dma_wait3A_338 = arith.constant 0 : i32
    %dma_wait3A_339 = tpu.memref_slice %arg2[%dma_wait3A_338] : memref<819200xi32, #tpu.memory_space<hbm>> -> memref<128xi32, #tpu.memory_space<hbm>>
    %dma_wait3A_340 = arith.constant 0 : i32
    %dma_wait3A_341 = tpu.memref_slice %arg5[%dma_wait3A_334, %dma_wait3A_340] : memref<4x128xi32, #tpu.memory_space<vmem>> -> memref<1x128xi32, #tpu.memory_space<vmem>>
    %dma_wait3A_342 = tpu.memref_squeeze %dma_wait3A_341 : memref<1x128xi32, #tpu.memory_space<vmem>> -> memref<128xi32, #tpu.memory_space<vmem>>
    %dma_wait3A_343 = arith.constant 0 : i32
    %dma_wait3A_344 = tpu.memref_slice %arg2[%dma_wait3A_343] : memref<819200xi32, #tpu.memory_space<hbm>> -> memref<128xi32, #tpu.memory_space<hbm>>
    tpu.wait_dma2 semaphore(%arg9 : memref<!tpu.dma_semaphore, #tpu.memory_space<semaphore_mem>>) src(%dma_wait3A_344 : memref<128xi32, #tpu.memory_space<hbm>>) dst(%dma_wait3A_342 : memref<128xi32, #tpu.memory_space<vmem>>)
    %dma_wait3A_345 = arith.constant 1 : i32
    %dma_wait3A_346 = arith.constant 0 : i32
    %dma_wait3A_347 = arith.constant 0 : i32
    %dma_wait3A_348 = tpu.memref_slice %arg6[%dma_wait3A_345, %dma_wait3A_346, %dma_wait3A_347] : memref<4x128x128xf32, #tpu.memory_space<vmem>> -> memref<1x128x128xf32, #tpu.memory_space<vmem>>
    %dma_wait3A_349 = tpu.memref_squeeze %dma_wait3A_348 : memref<1x128x128xf32, #tpu.memory_space<vmem>> -> memref<128x128xf32, #tpu.memory_space<vmem>>
    %dma_wait3A_350 = arith.constant 0 : i32
    %dma_wait3A_351 = arith.constant 0 : i32
    %dma_wait3A_352 = tpu.memref_slice %arg4[%dma_wait3A_350, %dma_wait3A_351] : memref<819200x128xf32, #tpu.memory_space<hbm>> -> memref<128x128xf32, #tpu.memory_space<hbm>>
    %dma_wait3A_353 = arith.constant 0 : i32
    %dma_wait3A_354 = arith.constant 0 : i32
    %dma_wait3A_355 = tpu.memref_slice %arg4[%dma_wait3A_353, %dma_wait3A_354] : memref<819200x128xf32, #tpu.memory_space<hbm>> -> memref<128x128xf32, #tpu.memory_space<hbm>>
    %dma_wait3A_356 = arith.constant 0 : i32
    %dma_wait3A_357 = arith.constant 0 : i32
    %dma_wait3A_358 = tpu.memref_slice %arg6[%dma_wait3A_345, %dma_wait3A_356, %dma_wait3A_357] : memref<4x128x128xf32, #tpu.memory_space<vmem>> -> memref<1x128x128xf32, #tpu.memory_space<vmem>>
    %dma_wait3A_359 = tpu.memref_squeeze %dma_wait3A_358 : memref<1x128x128xf32, #tpu.memory_space<vmem>> -> memref<128x128xf32, #tpu.memory_space<vmem>>
    tpu.wait_dma2 semaphore(%arg17 : memref<!tpu.dma_semaphore, #tpu.memory_space<semaphore_mem>>) src(%dma_wait3A_359 : memref<128x128xf32, #tpu.memory_space<vmem>>) dst(%dma_wait3A_355 : memref<128x128xf32, #tpu.memory_space<hbm>>)
    %dma_start3A_360 = arith.constant 1 : i32
    %dma_start3A_361 = arith.constant 1 : i32
    %dma_start3A_362 = arith.constant 0 : i32
    %dma_start3A_363 = arith.constant 0 : i32
    %dma_start3A_364 = tpu.memref_slice %arg6[%dma_start3A_361, %dma_start3A_362, %dma_start3A_363] : memref<4x128x128xf32, #tpu.memory_space<vmem>> -> memref<1x128x128xf32, #tpu.memory_space<vmem>>
    %dma_start3A_365 = tpu.memref_squeeze %dma_start3A_364 : memref<1x128x128xf32, #tpu.memory_space<vmem>> -> memref<128x128xf32, #tpu.memory_space<vmem>>
    %dma_start3A_366 = arith.constant 0 : i32
    %dma_start3A_367 = tpu.memref_slice %arg5[%dma_start3A_360, %dma_start3A_366] : memref<4x128xi32, #tpu.memory_space<vmem>> -> memref<1x128xi32, #tpu.memory_space<vmem>>
    %dma_start3A_368 = tpu.memref_squeeze %dma_start3A_367 : memref<1x128xi32, #tpu.memory_space<vmem>> -> memref<128xi32, #tpu.memory_space<vmem>>
    %dma_start3A_369 = arith.constant 0 : i32
    %dma_start3A_370 = arith.constant 0 : i32
    %dma_start3A_371 = tpu.memref_slice %arg7[%dma_start3A_369, %dma_start3A_370] : memref<512x128xf32, #tpu.memory_space<vmem_shared>> -> memref<512x128xf32, #tpu.memory_space<vmem_shared>>
    tpu.enqueue_indirect_dma source(%dma_start3A_371 : memref<512x128xf32, #tpu.memory_space<vmem_shared>>) target(%dma_start3A_365 : memref<128x128xf32, #tpu.memory_space<vmem>>) offsets(%dma_start3A_368 : memref<128xi32, #tpu.memory_space<vmem>>) semaphore(%arg13 : memref<!tpu.dma_semaphore, #tpu.memory_space<semaphore_mem>>)
    %dma_wait3A_372 = arith.constant 0 : i32
    %dma_wait3A_373 = arith.constant 0 : i32
    %dma_wait3A_374 = arith.constant 0 : i32
    %dma_wait3A_375 = arith.constant 0 : i32
    %dma_wait3A_376 = tpu.memref_slice %arg6[%dma_wait3A_373, %dma_wait3A_374, %dma_wait3A_375] : memref<4x128x128xf32, #tpu.memory_space<vmem>> -> memref<1x128x128xf32, #tpu.memory_space<vmem>>
    %dma_wait3A_377 = tpu.memref_squeeze %dma_wait3A_376 : memref<1x128x128xf32, #tpu.memory_space<vmem>> -> memref<128x128xf32, #tpu.memory_space<vmem>>
    %dma_wait3A_378 = arith.constant 0 : i32
    %dma_wait3A_379 = tpu.memref_slice %arg5[%dma_wait3A_372, %dma_wait3A_378] : memref<4x128xi32, #tpu.memory_space<vmem>> -> memref<1x128xi32, #tpu.memory_space<vmem>>
    %dma_wait3A_380 = tpu.memref_squeeze %dma_wait3A_379 : memref<1x128xi32, #tpu.memory_space<vmem>> -> memref<128xi32, #tpu.memory_space<vmem>>
    %dma_wait3A_381 = arith.constant 0 : i32
    %dma_wait3A_382 = arith.constant 0 : i32
    %dma_wait3A_383 = tpu.memref_slice %arg7[%dma_wait3A_381, %dma_wait3A_382] : memref<512x128xf32, #tpu.memory_space<vmem_shared>> -> memref<512x128xf32, #tpu.memory_space<vmem_shared>>
    tpu.wait_indirect_dma semaphore(%arg12 : memref<!tpu.dma_semaphore, #tpu.memory_space<semaphore_mem>>) src(%dma_wait3A_383 : memref<512x128xf32, #tpu.memory_space<vmem_shared>>) dst(%dma_wait3A_377 : memref<128x128xf32, #tpu.memory_space<vmem>>)
    %add3A_384 = arith.constant 25088 : i32
    %add3A_385 = arith.addi %mul3A_2, %add3A_384 : i32
    %dma_start3A_386 = arith.constant 0 : i32
    %dma_start3A_387 = arith.constant 0 : i32
    %dma_start3A_388 = arith.constant 0 : i32
    %dma_start3A_389 = tpu.memref_slice %arg6[%dma_start3A_386, %dma_start3A_387, %dma_start3A_388] : memref<4x128x128xf32, #tpu.memory_space<vmem>> -> memref<1x128x128xf32, #tpu.memory_space<vmem>>
    %dma_start3A_390 = tpu.memref_squeeze %dma_start3A_389 : memref<1x128x128xf32, #tpu.memory_space<vmem>> -> memref<128x128xf32, #tpu.memory_space<vmem>>
    %dma_start3A_391 = arith.constant 0 : i32
    %dma_start3A_392 = tpu.memref_slice %arg4[%add3A_385, %dma_start3A_391] : memref<819200x128xf32, #tpu.memory_space<hbm>> -> memref<128x128xf32, #tpu.memory_space<hbm>>
    %dma_start3A_393 = arith.constant 0 : i32
    %dma_start3A_394 = tpu.memref_slice %arg4[%add3A_385, %dma_start3A_393] : memref<819200x128xf32, #tpu.memory_space<hbm>> -> memref<128x128xf32, #tpu.memory_space<hbm>>
    %dma_start3A_395 = arith.constant 0 : i32
    %dma_start3A_396 = arith.constant 0 : i32
    %dma_start3A_397 = tpu.memref_slice %arg6[%dma_start3A_386, %dma_start3A_395, %dma_start3A_396] : memref<4x128x128xf32, #tpu.memory_space<vmem>> -> memref<1x128x128xf32, #tpu.memory_space<vmem>>
    %dma_start3A_398 = tpu.memref_squeeze %dma_start3A_397 : memref<1x128x128xf32, #tpu.memory_space<vmem>> -> memref<128x128xf32, #tpu.memory_space<vmem>>
    tpu.enqueue_dma source(%dma_start3A_398 : memref<128x128xf32, #tpu.memory_space<vmem>>) target(%dma_start3A_394 : memref<128x128xf32, #tpu.memory_space<hbm>>) target_semaphore(%arg16 : memref<!tpu.dma_semaphore, #tpu.memory_space<semaphore_mem>>)
    %dma_wait3A_399 = arith.constant 2 : i32
    %dma_wait3A_400 = arith.constant 0 : i32
    %dma_wait3A_401 = tpu.memref_slice %arg5[%dma_wait3A_399, %dma_wait3A_400] : memref<4x128xi32, #tpu.memory_space<vmem>> -> memref<1x128xi32, #tpu.memory_space<vmem>>
    %dma_wait3A_402 = tpu.memref_squeeze %dma_wait3A_401 : memref<1x128xi32, #tpu.memory_space<vmem>> -> memref<128xi32, #tpu.memory_space<vmem>>
    %dma_wait3A_403 = arith.constant 0 : i32
    %dma_wait3A_404 = tpu.memref_slice %arg2[%dma_wait3A_403] : memref<819200xi32, #tpu.memory_space<hbm>> -> memref<128xi32, #tpu.memory_space<hbm>>
    %dma_wait3A_405 = arith.constant 0 : i32
    %dma_wait3A_406 = tpu.memref_slice %arg5[%dma_wait3A_399, %dma_wait3A_405] : memref<4x128xi32, #tpu.memory_space<vmem>> -> memref<1x128xi32, #tpu.memory_space<vmem>>
    %dma_wait3A_407 = tpu.memref_squeeze %dma_wait3A_406 : memref<1x128xi32, #tpu.memory_space<vmem>> -> memref<128xi32, #tpu.memory_space<vmem>>
    %dma_wait3A_408 = arith.constant 0 : i32
    %dma_wait3A_409 = tpu.memref_slice %arg2[%dma_wait3A_408] : memref<819200xi32, #tpu.memory_space<hbm>> -> memref<128xi32, #tpu.memory_space<hbm>>
    tpu.wait_dma2 semaphore(%arg10 : memref<!tpu.dma_semaphore, #tpu.memory_space<semaphore_mem>>) src(%dma_wait3A_409 : memref<128xi32, #tpu.memory_space<hbm>>) dst(%dma_wait3A_407 : memref<128xi32, #tpu.memory_space<vmem>>)
    %dma_wait3A_410 = arith.constant 2 : i32
    %dma_wait3A_411 = arith.constant 0 : i32
    %dma_wait3A_412 = arith.constant 0 : i32
    %dma_wait3A_413 = tpu.memref_slice %arg6[%dma_wait3A_410, %dma_wait3A_411, %dma_wait3A_412] : memref<4x128x128xf32, #tpu.memory_space<vmem>> -> memref<1x128x128xf32, #tpu.memory_space<vmem>>
    %dma_wait3A_414 = tpu.memref_squeeze %dma_wait3A_413 : memref<1x128x128xf32, #tpu.memory_space<vmem>> -> memref<128x128xf32, #tpu.memory_space<vmem>>
    %dma_wait3A_415 = arith.constant 0 : i32
    %dma_wait3A_416 = arith.constant 0 : i32
    %dma_wait3A_417 = tpu.memref_slice %arg4[%dma_wait3A_415, %dma_wait3A_416] : memref<819200x128xf32, #tpu.memory_space<hbm>> -> memref<128x128xf32, #tpu.memory_space<hbm>>
    %dma_wait3A_418 = arith.constant 0 : i32
    %dma_wait3A_419 = arith.constant 0 : i32
    %dma_wait3A_420 = tpu.memref_slice %arg4[%dma_wait3A_418, %dma_wait3A_419] : memref<819200x128xf32, #tpu.memory_space<hbm>> -> memref<128x128xf32, #tpu.memory_space<hbm>>
    %dma_wait3A_421 = arith.constant 0 : i32
    %dma_wait3A_422 = arith.constant 0 : i32
    %dma_wait3A_423 = tpu.memref_slice %arg6[%dma_wait3A_410, %dma_wait3A_421, %dma_wait3A_422] : memref<4x128x128xf32, #tpu.memory_space<vmem>> -> memref<1x128x128xf32, #tpu.memory_space<vmem>>
    %dma_wait3A_424 = tpu.memref_squeeze %dma_wait3A_423 : memref<1x128x128xf32, #tpu.memory_space<vmem>> -> memref<128x128xf32, #tpu.memory_space<vmem>>
    tpu.wait_dma2 semaphore(%arg18 : memref<!tpu.dma_semaphore, #tpu.memory_space<semaphore_mem>>) src(%dma_wait3A_424 : memref<128x128xf32, #tpu.memory_space<vmem>>) dst(%dma_wait3A_420 : memref<128x128xf32, #tpu.memory_space<hbm>>)
    %dma_start3A_425 = arith.constant 2 : i32
    %dma_start3A_426 = arith.constant 2 : i32
    %dma_start3A_427 = arith.constant 0 : i32
    %dma_start3A_428 = arith.constant 0 : i32
    %dma_start3A_429 = tpu.memref_slice %arg6[%dma_start3A_426, %dma_start3A_427, %dma_start3A_428] : memref<4x128x128xf32, #tpu.memory_space<vmem>> -> memref<1x128x128xf32, #tpu.memory_space<vmem>>
    %dma_start3A_430 = tpu.memref_squeeze %dma_start3A_429 : memref<1x128x128xf32, #tpu.memory_space<vmem>> -> memref<128x128xf32, #tpu.memory_space<vmem>>
    %dma_start3A_431 = arith.constant 0 : i32
    %dma_start3A_432 = tpu.memref_slice %arg5[%dma_start3A_425, %dma_start3A_431] : memref<4x128xi32, #tpu.memory_space<vmem>> -> memref<1x128xi32, #tpu.memory_space<vmem>>
    %dma_start3A_433 = tpu.memref_squeeze %dma_start3A_432 : memref<1x128xi32, #tpu.memory_space<vmem>> -> memref<128xi32, #tpu.memory_space<vmem>>
    %dma_start3A_434 = arith.constant 0 : i32
    %dma_start3A_435 = arith.constant 0 : i32
    %dma_start3A_436 = tpu.memref_slice %arg7[%dma_start3A_434, %dma_start3A_435] : memref<512x128xf32, #tpu.memory_space<vmem_shared>> -> memref<512x128xf32, #tpu.memory_space<vmem_shared>>
    tpu.enqueue_indirect_dma source(%dma_start3A_436 : memref<512x128xf32, #tpu.memory_space<vmem_shared>>) target(%dma_start3A_430 : memref<128x128xf32, #tpu.memory_space<vmem>>) offsets(%dma_start3A_433 : memref<128xi32, #tpu.memory_space<vmem>>) semaphore(%arg14 : memref<!tpu.dma_semaphore, #tpu.memory_space<semaphore_mem>>)
    %dma_wait3A_437 = arith.constant 1 : i32
    %dma_wait3A_438 = arith.constant 1 : i32
    %dma_wait3A_439 = arith.constant 0 : i32
    %dma_wait3A_440 = arith.constant 0 : i32
    %dma_wait3A_441 = tpu.memref_slice %arg6[%dma_wait3A_438, %dma_wait3A_439, %dma_wait3A_440] : memref<4x128x128xf32, #tpu.memory_space<vmem>> -> memref<1x128x128xf32, #tpu.memory_space<vmem>>
    %dma_wait3A_442 = tpu.memref_squeeze %dma_wait3A_441 : memref<1x128x128xf32, #tpu.memory_space<vmem>> -> memref<128x128xf32, #tpu.memory_space<vmem>>
    %dma_wait3A_443 = arith.constant 0 : i32
    %dma_wait3A_444 = tpu.memref_slice %arg5[%dma_wait3A_437, %dma_wait3A_443] : memref<4x128xi32, #tpu.memory_space<vmem>> -> memref<1x128xi32, #tpu.memory_space<vmem>>
    %dma_wait3A_445 = tpu.memref_squeeze %dma_wait3A_444 : memref<1x128xi32, #tpu.memory_space<vmem>> -> memref<128xi32, #tpu.memory_space<vmem>>
    %dma_wait3A_446 = arith.constant 0 : i32
    %dma_wait3A_447 = arith.constant 0 : i32
    %dma_wait3A_448 = tpu.memref_slice %arg7[%dma_wait3A_446, %dma_wait3A_447] : memref<512x128xf32, #tpu.memory_space<vmem_shared>> -> memref<512x128xf32, #tpu.memory_space<vmem_shared>>
    tpu.wait_indirect_dma semaphore(%arg13 : memref<!tpu.dma_semaphore, #tpu.memory_space<semaphore_mem>>) src(%dma_wait3A_448 : memref<512x128xf32, #tpu.memory_space<vmem_shared>>) dst(%dma_wait3A_442 : memref<128x128xf32, #tpu.memory_space<vmem>>)
    %add3A_449 = arith.constant 25216 : i32
    %add3A_450 = arith.addi %mul3A_2, %add3A_449 : i32
    %dma_start3A_451 = arith.constant 1 : i32
    %dma_start3A_452 = arith.constant 0 : i32
    %dma_start3A_453 = arith.constant 0 : i32
    %dma_start3A_454 = tpu.memref_slice %arg6[%dma_start3A_451, %dma_start3A_452, %dma_start3A_453] : memref<4x128x128xf32, #tpu.memory_space<vmem>> -> memref<1x128x128xf32, #tpu.memory_space<vmem>>
    %dma_start3A_455 = tpu.memref_squeeze %dma_start3A_454 : memref<1x128x128xf32, #tpu.memory_space<vmem>> -> memref<128x128xf32, #tpu.memory_space<vmem>>
    %dma_start3A_456 = arith.constant 0 : i32
    %dma_start3A_457 = tpu.memref_slice %arg4[%add3A_450, %dma_start3A_456] : memref<819200x128xf32, #tpu.memory_space<hbm>> -> memref<128x128xf32, #tpu.memory_space<hbm>>
    %dma_start3A_458 = arith.constant 0 : i32
    %dma_start3A_459 = tpu.memref_slice %arg4[%add3A_450, %dma_start3A_458] : memref<819200x128xf32, #tpu.memory_space<hbm>> -> memref<128x128xf32, #tpu.memory_space<hbm>>
    %dma_start3A_460 = arith.constant 0 : i32
    %dma_start3A_461 = arith.constant 0 : i32
    %dma_start3A_462 = tpu.memref_slice %arg6[%dma_start3A_451, %dma_start3A_460, %dma_start3A_461] : memref<4x128x128xf32, #tpu.memory_space<vmem>> -> memref<1x128x128xf32, #tpu.memory_space<vmem>>
    %dma_start3A_463 = tpu.memref_squeeze %dma_start3A_462 : memref<1x128x128xf32, #tpu.memory_space<vmem>> -> memref<128x128xf32, #tpu.memory_space<vmem>>
    tpu.enqueue_dma source(%dma_start3A_463 : memref<128x128xf32, #tpu.memory_space<vmem>>) target(%dma_start3A_459 : memref<128x128xf32, #tpu.memory_space<hbm>>) target_semaphore(%arg17 : memref<!tpu.dma_semaphore, #tpu.memory_space<semaphore_mem>>)
    %dma_wait3A_464 = arith.constant 3 : i32
    %dma_wait3A_465 = arith.constant 0 : i32
    %dma_wait3A_466 = tpu.memref_slice %arg5[%dma_wait3A_464, %dma_wait3A_465] : memref<4x128xi32, #tpu.memory_space<vmem>> -> memref<1x128xi32, #tpu.memory_space<vmem>>
    %dma_wait3A_467 = tpu.memref_squeeze %dma_wait3A_466 : memref<1x128xi32, #tpu.memory_space<vmem>> -> memref<128xi32, #tpu.memory_space<vmem>>
    %dma_wait3A_468 = arith.constant 0 : i32
    %dma_wait3A_469 = tpu.memref_slice %arg2[%dma_wait3A_468] : memref<819200xi32, #tpu.memory_space<hbm>> -> memref<128xi32, #tpu.memory_space<hbm>>
    %dma_wait3A_470 = arith.constant 0 : i32
    %dma_wait3A_471 = tpu.memref_slice %arg5[%dma_wait3A_464, %dma_wait3A_470] : memref<4x128xi32, #tpu.memory_space<vmem>> -> memref<1x128xi32, #tpu.memory_space<vmem>>
    %dma_wait3A_472 = tpu.memref_squeeze %dma_wait3A_471 : memref<1x128xi32, #tpu.memory_space<vmem>> -> memref<128xi32, #tpu.memory_space<vmem>>
    %dma_wait3A_473 = arith.constant 0 : i32
    %dma_wait3A_474 = tpu.memref_slice %arg2[%dma_wait3A_473] : memref<819200xi32, #tpu.memory_space<hbm>> -> memref<128xi32, #tpu.memory_space<hbm>>
    tpu.wait_dma2 semaphore(%arg11 : memref<!tpu.dma_semaphore, #tpu.memory_space<semaphore_mem>>) src(%dma_wait3A_474 : memref<128xi32, #tpu.memory_space<hbm>>) dst(%dma_wait3A_472 : memref<128xi32, #tpu.memory_space<vmem>>)
    %dma_wait3A_475 = arith.constant 3 : i32
    %dma_wait3A_476 = arith.constant 0 : i32
    %dma_wait3A_477 = arith.constant 0 : i32
    %dma_wait3A_478 = tpu.memref_slice %arg6[%dma_wait3A_475, %dma_wait3A_476, %dma_wait3A_477] : memref<4x128x128xf32, #tpu.memory_space<vmem>> -> memref<1x128x128xf32, #tpu.memory_space<vmem>>
    %dma_wait3A_479 = tpu.memref_squeeze %dma_wait3A_478 : memref<1x128x128xf32, #tpu.memory_space<vmem>> -> memref<128x128xf32, #tpu.memory_space<vmem>>
    %dma_wait3A_480 = arith.constant 0 : i32
    %dma_wait3A_481 = arith.constant 0 : i32
    %dma_wait3A_482 = tpu.memref_slice %arg4[%dma_wait3A_480, %dma_wait3A_481] : memref<819200x128xf32, #tpu.memory_space<hbm>> -> memref<128x128xf32, #tpu.memory_space<hbm>>
    %dma_wait3A_483 = arith.constant 0 : i32
    %dma_wait3A_484 = arith.constant 0 : i32
    %dma_wait3A_485 = tpu.memref_slice %arg4[%dma_wait3A_483, %dma_wait3A_484] : memref<819200x128xf32, #tpu.memory_space<hbm>> -> memref<128x128xf32, #tpu.memory_space<hbm>>
    %dma_wait3A_486 = arith.constant 0 : i32
    %dma_wait3A_487 = arith.constant 0 : i32
    %dma_wait3A_488 = tpu.memref_slice %arg6[%dma_wait3A_475, %dma_wait3A_486, %dma_wait3A_487] : memref<4x128x128xf32, #tpu.memory_space<vmem>> -> memref<1x128x128xf32, #tpu.memory_space<vmem>>
    %dma_wait3A_489 = tpu.memref_squeeze %dma_wait3A_488 : memref<1x128x128xf32, #tpu.memory_space<vmem>> -> memref<128x128xf32, #tpu.memory_space<vmem>>
    tpu.wait_dma2 semaphore(%arg19 : memref<!tpu.dma_semaphore, #tpu.memory_space<semaphore_mem>>) src(%dma_wait3A_489 : memref<128x128xf32, #tpu.memory_space<vmem>>) dst(%dma_wait3A_485 : memref<128x128xf32, #tpu.memory_space<hbm>>)
    %dma_start3A_490 = arith.constant 3 : i32
    %dma_start3A_491 = arith.constant 3 : i32
    %dma_start3A_492 = arith.constant 0 : i32
    %dma_start3A_493 = arith.constant 0 : i32
    %dma_start3A_494 = tpu.memref_slice %arg6[%dma_start3A_491, %dma_start3A_492, %dma_start3A_493] : memref<4x128x128xf32, #tpu.memory_space<vmem>> -> memref<1x128x128xf32, #tpu.memory_space<vmem>>
    %dma_start3A_495 = tpu.memref_squeeze %dma_start3A_494 : memref<1x128x128xf32, #tpu.memory_space<vmem>> -> memref<128x128xf32, #tpu.memory_space<vmem>>
    %dma_start3A_496 = arith.constant 0 : i32
    %dma_start3A_497 = tpu.memref_slice %arg5[%dma_start3A_490, %dma_start3A_496] : memref<4x128xi32, #tpu.memory_space<vmem>> -> memref<1x128xi32, #tpu.memory_space<vmem>>
    %dma_start3A_498 = tpu.memref_squeeze %dma_start3A_497 : memref<1x128xi32, #tpu.memory_space<vmem>> -> memref<128xi32, #tpu.memory_space<vmem>>
    %dma_start3A_499 = arith.constant 0 : i32
    %dma_start3A_500 = arith.constant 0 : i32
    %dma_start3A_501 = tpu.memref_slice %arg7[%dma_start3A_499, %dma_start3A_500] : memref<512x128xf32, #tpu.memory_space<vmem_shared>> -> memref<512x128xf32, #tpu.memory_space<vmem_shared>>
    tpu.enqueue_indirect_dma source(%dma_start3A_501 : memref<512x128xf32, #tpu.memory_space<vmem_shared>>) target(%dma_start3A_495 : memref<128x128xf32, #tpu.memory_space<vmem>>) offsets(%dma_start3A_498 : memref<128xi32, #tpu.memory_space<vmem>>) semaphore(%arg15 : memref<!tpu.dma_semaphore, #tpu.memory_space<semaphore_mem>>)
    %dma_wait3A_502 = arith.constant 2 : i32
    %dma_wait3A_503 = arith.constant 2 : i32
    %dma_wait3A_504 = arith.constant 0 : i32
    %dma_wait3A_505 = arith.constant 0 : i32
    %dma_wait3A_506 = tpu.memref_slice %arg6[%dma_wait3A_503, %dma_wait3A_504, %dma_wait3A_505] : memref<4x128x128xf32, #tpu.memory_space<vmem>> -> memref<1x128x128xf32, #tpu.memory_space<vmem>>
    %dma_wait3A_507 = tpu.memref_squeeze %dma_wait3A_506 : memref<1x128x128xf32, #tpu.memory_space<vmem>> -> memref<128x128xf32, #tpu.memory_space<vmem>>
    %dma_wait3A_508 = arith.constant 0 : i32
    %dma_wait3A_509 = tpu.memref_slice %arg5[%dma_wait3A_502, %dma_wait3A_508] : memref<4x128xi32, #tpu.memory_space<vmem>> -> memref<1x128xi32, #tpu.memory_space<vmem>>
    %dma_wait3A_510 = tpu.memref_squeeze %dma_wait3A_509 : memref<1x128xi32, #tpu.memory_space<vmem>> -> memref<128xi32, #tpu.memory_space<vmem>>
    %dma_wait3A_511 = arith.constant 0 : i32
    %dma_wait3A_512 = arith.constant 0 : i32
    %dma_wait3A_513 = tpu.memref_slice %arg7[%dma_wait3A_511, %dma_wait3A_512] : memref<512x128xf32, #tpu.memory_space<vmem_shared>> -> memref<512x128xf32, #tpu.memory_space<vmem_shared>>
    tpu.wait_indirect_dma semaphore(%arg14 : memref<!tpu.dma_semaphore, #tpu.memory_space<semaphore_mem>>) src(%dma_wait3A_513 : memref<512x128xf32, #tpu.memory_space<vmem_shared>>) dst(%dma_wait3A_507 : memref<128x128xf32, #tpu.memory_space<vmem>>)
    %add3A_514 = arith.constant 25344 : i32
    %add3A_515 = arith.addi %mul3A_2, %add3A_514 : i32
    %dma_start3A_516 = arith.constant 2 : i32
    %dma_start3A_517 = arith.constant 0 : i32
    %dma_start3A_518 = arith.constant 0 : i32
    %dma_start3A_519 = tpu.memref_slice %arg6[%dma_start3A_516, %dma_start3A_517, %dma_start3A_518] : memref<4x128x128xf32, #tpu.memory_space<vmem>> -> memref<1x128x128xf32, #tpu.memory_space<vmem>>
    %dma_start3A_520 = tpu.memref_squeeze %dma_start3A_519 : memref<1x128x128xf32, #tpu.memory_space<vmem>> -> memref<128x128xf32, #tpu.memory_space<vmem>>
    %dma_start3A_521 = arith.constant 0 : i32
    %dma_start3A_522 = tpu.memref_slice %arg4[%add3A_515, %dma_start3A_521] : memref<819200x128xf32, #tpu.memory_space<hbm>> -> memref<128x128xf32, #tpu.memory_space<hbm>>
    %dma_start3A_523 = arith.constant 0 : i32
    %dma_start3A_524 = tpu.memref_slice %arg4[%add3A_515, %dma_start3A_523] : memref<819200x128xf32, #tpu.memory_space<hbm>> -> memref<128x128xf32, #tpu.memory_space<hbm>>
    %dma_start3A_525 = arith.constant 0 : i32
    %dma_start3A_526 = arith.constant 0 : i32
    %dma_start3A_527 = tpu.memref_slice %arg6[%dma_start3A_516, %dma_start3A_525, %dma_start3A_526] : memref<4x128x128xf32, #tpu.memory_space<vmem>> -> memref<1x128x128xf32, #tpu.memory_space<vmem>>
    %dma_start3A_528 = tpu.memref_squeeze %dma_start3A_527 : memref<1x128x128xf32, #tpu.memory_space<vmem>> -> memref<128x128xf32, #tpu.memory_space<vmem>>
    tpu.enqueue_dma source(%dma_start3A_528 : memref<128x128xf32, #tpu.memory_space<vmem>>) target(%dma_start3A_524 : memref<128x128xf32, #tpu.memory_space<hbm>>) target_semaphore(%arg18 : memref<!tpu.dma_semaphore, #tpu.memory_space<semaphore_mem>>)
    %dma_wait3A_529 = arith.constant 3 : i32
    %dma_wait3A_530 = arith.constant 3 : i32
    %dma_wait3A_531 = arith.constant 0 : i32
    %dma_wait3A_532 = arith.constant 0 : i32
    %dma_wait3A_533 = tpu.memref_slice %arg6[%dma_wait3A_530, %dma_wait3A_531, %dma_wait3A_532] : memref<4x128x128xf32, #tpu.memory_space<vmem>> -> memref<1x128x128xf32, #tpu.memory_space<vmem>>
    %dma_wait3A_534 = tpu.memref_squeeze %dma_wait3A_533 : memref<1x128x128xf32, #tpu.memory_space<vmem>> -> memref<128x128xf32, #tpu.memory_space<vmem>>
    %dma_wait3A_535 = arith.constant 0 : i32
    %dma_wait3A_536 = tpu.memref_slice %arg5[%dma_wait3A_529, %dma_wait3A_535] : memref<4x128xi32, #tpu.memory_space<vmem>> -> memref<1x128xi32, #tpu.memory_space<vmem>>
    %dma_wait3A_537 = tpu.memref_squeeze %dma_wait3A_536 : memref<1x128xi32, #tpu.memory_space<vmem>> -> memref<128xi32, #tpu.memory_space<vmem>>
    %dma_wait3A_538 = arith.constant 0 : i32
    %dma_wait3A_539 = arith.constant 0 : i32
    %dma_wait3A_540 = tpu.memref_slice %arg7[%dma_wait3A_538, %dma_wait3A_539] : memref<512x128xf32, #tpu.memory_space<vmem_shared>> -> memref<512x128xf32, #tpu.memory_space<vmem_shared>>
    tpu.wait_indirect_dma semaphore(%arg15 : memref<!tpu.dma_semaphore, #tpu.memory_space<semaphore_mem>>) src(%dma_wait3A_540 : memref<512x128xf32, #tpu.memory_space<vmem_shared>>) dst(%dma_wait3A_534 : memref<128x128xf32, #tpu.memory_space<vmem>>)
    %add3A_541 = arith.constant 25472 : i32
    %add3A_542 = arith.addi %mul3A_2, %add3A_541 : i32
    %dma_start3A_543 = arith.constant 3 : i32
    %dma_start3A_544 = arith.constant 0 : i32
    %dma_start3A_545 = arith.constant 0 : i32
    %dma_start3A_546 = tpu.memref_slice %arg6[%dma_start3A_543, %dma_start3A_544, %dma_start3A_545] : memref<4x128x128xf32, #tpu.memory_space<vmem>> -> memref<1x128x128xf32, #tpu.memory_space<vmem>>
    %dma_start3A_547 = tpu.memref_squeeze %dma_start3A_546 : memref<1x128x128xf32, #tpu.memory_space<vmem>> -> memref<128x128xf32, #tpu.memory_space<vmem>>
    %dma_start3A_548 = arith.constant 0 : i32
    %dma_start3A_549 = tpu.memref_slice %arg4[%add3A_542, %dma_start3A_548] : memref<819200x128xf32, #tpu.memory_space<hbm>> -> memref<128x128xf32, #tpu.memory_space<hbm>>
    %dma_start3A_550 = arith.constant 0 : i32
    %dma_start3A_551 = tpu.memref_slice %arg4[%add3A_542, %dma_start3A_550] : memref<819200x128xf32, #tpu.memory_space<hbm>> -> memref<128x128xf32, #tpu.memory_space<hbm>>
    %dma_start3A_552 = arith.constant 0 : i32
    %dma_start3A_553 = arith.constant 0 : i32
    %dma_start3A_554 = tpu.memref_slice %arg6[%dma_start3A_543, %dma_start3A_552, %dma_start3A_553] : memref<4x128x128xf32, #tpu.memory_space<vmem>> -> memref<1x128x128xf32, #tpu.memory_space<vmem>>
    %dma_start3A_555 = tpu.memref_squeeze %dma_start3A_554 : memref<1x128x128xf32, #tpu.memory_space<vmem>> -> memref<128x128xf32, #tpu.memory_space<vmem>>
    tpu.enqueue_dma source(%dma_start3A_555 : memref<128x128xf32, #tpu.memory_space<vmem>>) target(%dma_start3A_551 : memref<128x128xf32, #tpu.memory_space<hbm>>) target_semaphore(%arg19 : memref<!tpu.dma_semaphore, #tpu.memory_space<semaphore_mem>>)
    %dma_wait3A_556 = arith.constant 0 : i32
    %dma_wait3A_557 = arith.constant 0 : i32
    %dma_wait3A_558 = arith.constant 0 : i32
    %dma_wait3A_559 = tpu.memref_slice %arg6[%dma_wait3A_556, %dma_wait3A_557, %dma_wait3A_558] : memref<4x128x128xf32, #tpu.memory_space<vmem>> -> memref<1x128x128xf32, #tpu.memory_space<vmem>>
    %dma_wait3A_560 = tpu.memref_squeeze %dma_wait3A_559 : memref<1x128x128xf32, #tpu.memory_space<vmem>> -> memref<128x128xf32, #tpu.memory_space<vmem>>
    %dma_wait3A_561 = arith.constant 0 : i32
    %dma_wait3A_562 = arith.constant 0 : i32
    %dma_wait3A_563 = tpu.memref_slice %arg4[%dma_wait3A_561, %dma_wait3A_562] : memref<819200x128xf32, #tpu.memory_space<hbm>> -> memref<128x128xf32, #tpu.memory_space<hbm>>
    %dma_wait3A_564 = arith.constant 0 : i32
    %dma_wait3A_565 = arith.constant 0 : i32
    %dma_wait3A_566 = tpu.memref_slice %arg4[%dma_wait3A_564, %dma_wait3A_565] : memref<819200x128xf32, #tpu.memory_space<hbm>> -> memref<128x128xf32, #tpu.memory_space<hbm>>
    %dma_wait3A_567 = arith.constant 0 : i32
    %dma_wait3A_568 = arith.constant 0 : i32
    %dma_wait3A_569 = tpu.memref_slice %arg6[%dma_wait3A_556, %dma_wait3A_567, %dma_wait3A_568] : memref<4x128x128xf32, #tpu.memory_space<vmem>> -> memref<1x128x128xf32, #tpu.memory_space<vmem>>
    %dma_wait3A_570 = tpu.memref_squeeze %dma_wait3A_569 : memref<1x128x128xf32, #tpu.memory_space<vmem>> -> memref<128x128xf32, #tpu.memory_space<vmem>>
    tpu.wait_dma2 semaphore(%arg16 : memref<!tpu.dma_semaphore, #tpu.memory_space<semaphore_mem>>) src(%dma_wait3A_570 : memref<128x128xf32, #tpu.memory_space<vmem>>) dst(%dma_wait3A_566 : memref<128x128xf32, #tpu.memory_space<hbm>>)
    %dma_wait3A_571 = arith.constant 1 : i32
    %dma_wait3A_572 = arith.constant 0 : i32
    %dma_wait3A_573 = arith.constant 0 : i32
    %dma_wait3A_574 = tpu.memref_slice %arg6[%dma_wait3A_571, %dma_wait3A_572, %dma_wait3A_573] : memref<4x128x128xf32, #tpu.memory_space<vmem>> -> memref<1x128x128xf32, #tpu.memory_space<vmem>>
    %dma_wait3A_575 = tpu.memref_squeeze %dma_wait3A_574 : memref<1x128x128xf32, #tpu.memory_space<vmem>> -> memref<128x128xf32, #tpu.memory_space<vmem>>
    %dma_wait3A_576 = arith.constant 0 : i32
    %dma_wait3A_577 = arith.constant 0 : i32
    %dma_wait3A_578 = tpu.memref_slice %arg4[%dma_wait3A_576, %dma_wait3A_577] : memref<819200x128xf32, #tpu.memory_space<hbm>> -> memref<128x128xf32, #tpu.memory_space<hbm>>
    %dma_wait3A_579 = arith.constant 0 : i32
    %dma_wait3A_580 = arith.constant 0 : i32
    %dma_wait3A_581 = tpu.memref_slice %arg4[%dma_wait3A_579, %dma_wait3A_580] : memref<819200x128xf32, #tpu.memory_space<hbm>> -> memref<128x128xf32, #tpu.memory_space<hbm>>
    %dma_wait3A_582 = arith.constant 0 : i32
    %dma_wait3A_583 = arith.constant 0 : i32
    %dma_wait3A_584 = tpu.memref_slice %arg6[%dma_wait3A_571, %dma_wait3A_582, %dma_wait3A_583] : memref<4x128x128xf32, #tpu.memory_space<vmem>> -> memref<1x128x128xf32, #tpu.memory_space<vmem>>
    %dma_wait3A_585 = tpu.memref_squeeze %dma_wait3A_584 : memref<1x128x128xf32, #tpu.memory_space<vmem>> -> memref<128x128xf32, #tpu.memory_space<vmem>>
    tpu.wait_dma2 semaphore(%arg17 : memref<!tpu.dma_semaphore, #tpu.memory_space<semaphore_mem>>) src(%dma_wait3A_585 : memref<128x128xf32, #tpu.memory_space<vmem>>) dst(%dma_wait3A_581 : memref<128x128xf32, #tpu.memory_space<hbm>>)
    %dma_wait3A_586 = arith.constant 2 : i32
    %dma_wait3A_587 = arith.constant 0 : i32
    %dma_wait3A_588 = arith.constant 0 : i32
    %dma_wait3A_589 = tpu.memref_slice %arg6[%dma_wait3A_586, %dma_wait3A_587, %dma_wait3A_588] : memref<4x128x128xf32, #tpu.memory_space<vmem>> -> memref<1x128x128xf32, #tpu.memory_space<vmem>>
    %dma_wait3A_590 = tpu.memref_squeeze %dma_wait3A_589 : memref<1x128x128xf32, #tpu.memory_space<vmem>> -> memref<128x128xf32, #tpu.memory_space<vmem>>
    %dma_wait3A_591 = arith.constant 0 : i32
    %dma_wait3A_592 = arith.constant 0 : i32
    %dma_wait3A_593 = tpu.memref_slice %arg4[%dma_wait3A_591, %dma_wait3A_592] : memref<819200x128xf32, #tpu.memory_space<hbm>> -> memref<128x128xf32, #tpu.memory_space<hbm>>
    %dma_wait3A_594 = arith.constant 0 : i32
    %dma_wait3A_595 = arith.constant 0 : i32
    %dma_wait3A_596 = tpu.memref_slice %arg4[%dma_wait3A_594, %dma_wait3A_595] : memref<819200x128xf32, #tpu.memory_space<hbm>> -> memref<128x128xf32, #tpu.memory_space<hbm>>
    %dma_wait3A_597 = arith.constant 0 : i32
    %dma_wait3A_598 = arith.constant 0 : i32
    %dma_wait3A_599 = tpu.memref_slice %arg6[%dma_wait3A_586, %dma_wait3A_597, %dma_wait3A_598] : memref<4x128x128xf32, #tpu.memory_space<vmem>> -> memref<1x128x128xf32, #tpu.memory_space<vmem>>
    %dma_wait3A_600 = tpu.memref_squeeze %dma_wait3A_599 : memref<1x128x128xf32, #tpu.memory_space<vmem>> -> memref<128x128xf32, #tpu.memory_space<vmem>>
    tpu.wait_dma2 semaphore(%arg18 : memref<!tpu.dma_semaphore, #tpu.memory_space<semaphore_mem>>) src(%dma_wait3A_600 : memref<128x128xf32, #tpu.memory_space<vmem>>) dst(%dma_wait3A_596 : memref<128x128xf32, #tpu.memory_space<hbm>>)
    %dma_wait3A_601 = arith.constant 3 : i32
    %dma_wait3A_602 = arith.constant 0 : i32
    %dma_wait3A_603 = arith.constant 0 : i32
    %dma_wait3A_604 = tpu.memref_slice %arg6[%dma_wait3A_601, %dma_wait3A_602, %dma_wait3A_603] : memref<4x128x128xf32, #tpu.memory_space<vmem>> -> memref<1x128x128xf32, #tpu.memory_space<vmem>>
    %dma_wait3A_605 = tpu.memref_squeeze %dma_wait3A_604 : memref<1x128x128xf32, #tpu.memory_space<vmem>> -> memref<128x128xf32, #tpu.memory_space<vmem>>
    %dma_wait3A_606 = arith.constant 0 : i32
    %dma_wait3A_607 = arith.constant 0 : i32
    %dma_wait3A_608 = tpu.memref_slice %arg4[%dma_wait3A_606, %dma_wait3A_607] : memref<819200x128xf32, #tpu.memory_space<hbm>> -> memref<128x128xf32, #tpu.memory_space<hbm>>
    %dma_wait3A_609 = arith.constant 0 : i32
    %dma_wait3A_610 = arith.constant 0 : i32
    %dma_wait3A_611 = tpu.memref_slice %arg4[%dma_wait3A_609, %dma_wait3A_610] : memref<819200x128xf32, #tpu.memory_space<hbm>> -> memref<128x128xf32, #tpu.memory_space<hbm>>
    %dma_wait3A_612 = arith.constant 0 : i32
    %dma_wait3A_613 = arith.constant 0 : i32
    %dma_wait3A_614 = tpu.memref_slice %arg6[%dma_wait3A_601, %dma_wait3A_612, %dma_wait3A_613] : memref<4x128x128xf32, #tpu.memory_space<vmem>> -> memref<1x128x128xf32, #tpu.memory_space<vmem>>
    %dma_wait3A_615 = tpu.memref_squeeze %dma_wait3A_614 : memref<1x128x128xf32, #tpu.memory_space<vmem>> -> memref<128x128xf32, #tpu.memory_space<vmem>>
    tpu.wait_dma2 semaphore(%arg19 : memref<!tpu.dma_semaphore, #tpu.memory_space<semaphore_mem>>) src(%dma_wait3A_615 : memref<128x128xf32, #tpu.memory_space<vmem>>) dst(%dma_wait3A_611 : memref<128x128xf32, #tpu.memory_space<hbm>>)
    return
  }
}

</mosaic_0001>

<sc_bundles>
// kernel: kernel.3.cloned.1.call-start
scs
__scs_entry_jumppad:
0x0: {  	(pc) =	sbr.rel $0x88, $3  }
0x1: {  	(tag) =	ssettag $0x0;
	lr =	simm.s32 $0x1  }
0x2: {  	[smem:$0x3F9F] =	sst lr;
	_ =	strace $0xD0000000  }
0x3: {  	_ = 	snop  }
0x4: {  	_ = 	snop  }
0x5: {  	_ = 	snop  }
0x6: {  	_ = 	snop  }
0x7: {  	_ = 	snop  }
__scs_overlays_trampoline_lowered:
0x8: {  	[smem:$0x3FAE] =	sst s0  }
0x9: {  	[smem:$0x3FAF] =	sst s1  }
0xa: {  	[smem:$0x3FB0] =	sst s2  }
0xb: {  	[smem:$0x3FB1] =	sst s3  }
0xc: {  	[smem:$0x3FB2] =	sst s4  }
0xd: {  	[smem:$0x3FB3] =	sst s5  }
0xe: {  	[smem:$0x3FB4] =	sst s6  }
0xf: {  	[smem:$0x3FB5] =	sst s7  }
0x10: {  	[smem:$0x3FB6] =	sst s8  }
0x11: {  	[smem:$0x3FB7] =	sst s9;
	s0 =	simm.s32 @!p0 $0x0  }
0x12: {  	s1 =	sld [smem:$0x3F9D];
	s0 =	simm.s32 @p0 $0x1  }
0x13: {  	[smem:$0x3FB8] =	sst s0;
	s0 =	simm.s32 @!p1 $0x0  }
0x14: {  	s2 =	sld [smem:$0x3F9C];
	s0 =	simm.s32 @p1 $0x1  }
0x15: {  	[smem:$0x3FB9] =	sst s0;
	s0 =	simm.s32 @!p2 $0x0  }
0x16: {  	s3 =	sld [smem:$0x3FDB];
	s0 =	simm.s32 @p2 $0x1  }
0x17: {  	s4 =	simm.s32 $0x1BF5;
	[smem:$0x3FBB] =	sst s0  }
0x18: {  	s0 =	sld [smem:$0x3F9E];
	_ =	swait.ge [sflag:s4], $0x0  }
0x19: {  	s7 =	sld [smem:$0x3F9F]  }
0x1a: {  	s8 =	sadd.s32 $0xFFFFE003, lr  }
0x1b: {  	s9 =	sadd.s32 $0xFFFFFEF7, lr;
	s5 =	simm.s32 $0xFFFFFFFF;
	p2 =	slt.u32 s8, $0xFFFFF086  }
0x1c: {  	p1 =	slt.u32 s9, $0xF7A;
	s5 =	simm.s32 @!p2 $0x0  }
0x1d: {  	s5 =	simm.s32 @p1 $0x1;
	p0 =	seq.s32 s7, s2  }
0x1e: {  	s7 =	smul.u32 @!p0 $0xF7A, s2;
	p2 =	seq.s32 @!p0 s5, $0x0  }
0x1f: {  	s9 =	smul.u32 $0xF7A, s1;
	s8 =	simm.s32 @!p0 $0x1BF5;
	p2 =	por !p2, p0  }
0x20: {  	[sflag:s8] =	ssyncset.s32 @!p0 $0xFFFFF086;
	s6 =	sadd.s32 @!p0 s3, s7;
	s7 =	simm.s32 @!p0 $0x108  }
0x21: {  	s3 =	sadd.s32 s3, s9;
	s6 =	sadd.s32 @!p0 $0x88, s6;
	s7 =	simm.s32 @p2 $0x1082  }
0x22: {  	[simem:s7], [sflag:s8] =	dma.local @!p0 [hbm:s6], $0xF7A  }
0x23: {  	s9 =	sor.u32 $0xD0000000, s2;
	s6 =	simm.s32 $0x108;
	_ =	swait.ge @!p0 [sflag:s8], $0x0  }
0x24: {  	s3 =	sadd.s32 $0x88, s3;
	s6 =	simm.s32 @!p1 $0x1082;
	[sflag:s4] =	ssyncset.s32 $0xFFFFF086  }
0x25: {  	[simem:s6], [sflag:s4] =	dma.local [hbm:s3], $0xF7A  }
0x26: {  	[smem:$0x3F9F] =	sst s1;
	(tag) =	ssettag s2;
	_ =	strace s9  }
0x27: {  	s1 =	sld [smem:$0x3FAF]  }
0x28: {  	s2 =	sld [smem:$0x3FB0]  }
0x29: {  	s4 =	sld [smem:$0x3FB2]  }
0x2a: {  	p0 =	seq.s32 s5, $0x0;
	s5 =	sld [smem:$0x3FB3]  }
0x2b: {  	s6 =	sld [smem:$0x3FB4]  }
0x2c: {  	s7 =	sld [smem:$0x3FB5]  }
0x2d: {  	s3 =	simm.s32 $0x108;
	s8 =	sld [smem:$0x3FB6]  }
0x2e: {  	s3 =	simm.s32 @!p0 $0x1082;
	s9 =	sld [smem:$0x3FB7]  }
0x2f: {  	lr =	sadd.s32 s0, s3;
	s0 =	sld [smem:$0x3FAE]  }
0x30: {  	s3 =	sld [smem:$0x3FB1]  }
0x31: {  	[smem:$0x3FBA] =	sst s10  }
0x32: {  	s10 =	sld [smem:$0x3FB8];
	_ =	sdelay $0x3  }
0x33: {  	p0 =	seq.s32 s10, $0x1;
	s10 =	sld [smem:$0x3FBA];
	_ =	sdelay $0x3  }
0x34: {  	[smem:$0x3FBA] =	sst s10  }
0x35: {  	s10 =	sld [smem:$0x3FB9];
	_ =	sdelay $0x3  }
0x36: {  	p1 =	seq.s32 s10, $0x1;
	s10 =	sld [smem:$0x3FBA];
	_ =	sdelay $0x3  }
0x37: {  	[smem:$0x3FBA] =	sst s10  }
0x38: {  	s10 =	sld [smem:$0x3FBB]  }
0x39: {  	_ = 	snop;
	(pc) =	sbr.ind lr, $3  }
0x3a: {  	_ = 	snop  }
0x3b: {  	_ = 	snop  }
0x3c: {  	p2 =	seq.s32 s10, $0x1;
	s10 =	sld [smem:$0x3FBA]  }
0x3d: {  	_ =	shalt  }
0x3e: {  	_ =	shalt  }
0x3f: {  	_ =	shalt  }
0x40: {  	_ =	shalt  }
0x41: {  	_ =	shalt  }
0x42: {  	_ =	shalt  }
0x43: {  	_ =	shalt  }
0x44: {  	_ =	shalt  }
0x45: {  	_ =	shalt  }
0x46: {  	_ =	shalt  }
0x47: {  	_ =	shalt  }
0x48: {  	_ =	shalt  }
0x49: {  	_ =	shalt  }
0x4a: {  	_ =	shalt  }
0x4b: {  	_ =	shalt  }
0x4c: {  	_ =	shalt  }
0x4d: {  	_ =	shalt  }
0x4e: {  	_ =	shalt  }
0x4f: {  	_ =	shalt  }
0x50: {  	_ =	shalt  }
0x51: {  	_ =	shalt  }
0x52: {  	_ =	shalt  }
0x53: {  	_ =	shalt  }
0x54: {  	_ =	shalt  }
0x55: {  	_ =	shalt  }
0x56: {  	_ =	shalt  }
0x57: {  	_ =	shalt  }
0x58: {  	_ =	shalt  }
0x59: {  	_ =	shalt  }
0x5a: {  	_ =	shalt  }
0x5b: {  	_ =	shalt  }
0x5c: {  	_ =	shalt  }
0x5d: {  	_ =	shalt  }
0x5e: {  	_ =	shalt  }
0x5f: {  	_ =	shalt  }
0x60: {  	_ =	shalt  }
0x61: {  	_ =	shalt  }
0x62: {  	_ =	shalt  }
0x63: {  	_ =	shalt  }
0x64: {  	_ =	shalt  }
0x65: {  	_ =	shalt  }
0x66: {  	_ =	shalt  }
0x67: {  	_ =	shalt  }
0x68: {  	_ =	shalt  }
0x69: {  	_ =	shalt  }
0x6a: {  	_ =	shalt  }
0x6b: {  	_ =	shalt  }
0x6c: {  	_ =	shalt  }
0x6d: {  	_ =	shalt  }
0x6e: {  	_ =	shalt  }
0x6f: {  	_ =	shalt  }
0x70: {  	_ =	shalt  }
0x71: {  	_ =	shalt  }
0x72: {  	_ =	shalt  }
0x73: {  	_ =	shalt  }
0x74: {  	_ =	shalt  }
0x75: {  	_ =	shalt  }
0x76: {  	_ =	shalt  }
0x77: {  	_ =	shalt  }
0x78: {  	_ =	shalt  }
0x79: {  	_ =	shalt  }
0x7a: {  	_ =	shalt  }
0x7b: {  	_ =	shalt  }
0x7c: {  	_ =	shalt  }
0x7d: {  	_ =	shalt  }
0x7e: {  	_ =	shalt  }
0x7f: {  	_ =	shalt  }
0x80: {  	_ =	shalt  }
0x81: {  	_ =	shalt  }
0x82: {  	_ =	shalt  }
0x83: {  	_ =	shalt  }
0x84: {  	_ =	shalt  }
0x85: {  	_ =	shalt  }
0x86: {  	_ =	shalt  }
0x87: {  	_ =	shalt  }
.Lfunc_end0:
.L_simem_size_0:
called_computation_lowered:
.L_overlay_start_0:
0x88: {  	s2 =	sld [smem:$0x3FD9]  }
0x89: {  	s3 =	sld [smem:$0x3FFE];
	_ =	sdelay $0x1  }
0x8a: {  	s1 =	srdreg.scid  }
0x8b: {  	s0 =	sand.u32 $0x1, s1  }
0x8c: {  	s17 =	sshll.u32 s0, $0xA;
	s2 =	sadd.s32 s3, s2  }
0x8d: {  	s2 =	sadd.s32 s2, s17  }
0x8e: {  	[smem:$0x3FC6] =	sst s2  }
0x8f: {  	_ = 	snop  }
0x90: {  	s2 =	sld [smem:$0x3FC8]  }
0x91: {  	s18 =	sld [smem:$0x3FD0];
	(tm) =	ssettm $0x1  }
0x92: {  	s4 =	sld [smem:$0x3FFB];
	_ =	sdelay $0x3  }
0x93: {  	_ =	strace s4  }
0x94: {  	s4 =	sld [smem:$0x3FFC];
	_ =	sdelay $0x3  }
0x95: {  	_ =	strace s4  }
0x96: {  	s4 =	sld [smem:$0x3FFD];
	_ =	sdelay $0x3  }
0x97: {  	_ =	strace s4  }
0x98: {  	_ =	strace $0x8FFFFFFF  }
0x99: {  	s19 =	sld [smem:$0x3FDB];
	_ =	sdelay $0x1  }
0x9a: {  	s5 =	simm.s32 $_scs_section_size  }
0x9b: {  	s6 =	simm.s32 $_size__tile_overlayer_lowered;
	s7 =	simm.s32 $_tile_overlayer_lowered  }
0x9c: {  	s22 =	simm.s32 $0x1BFF;
	s21 =	sshll.u32 s7, $0x1;
	s4 =	sadd.s32 s5, s19  }
0x9d: {  	s8 =	simm.s32 $0x0;
	s20 =	sshll.u32 s6, $0x1;
	s6 =	sadd.s32 s21, s4  }
0x9e: {  	[timem:s8], [sflag:s22] =	dma.local [hbm:s6], s20  }
0x9f: {  	_ =	swait.ge [sflag:s22], s20  }
0xa0: {  	s5 =	ssub.s32 $0x0, s20;
	[sflag:s22] =	ssyncset.done $0x0  }
0xa1: {  	[sflag:s22] =	ssyncadd.s32 s5;
	_ =	sdelay $0x1  }
0xa2: {  	s23 =	simm.s32 $0x1B8B  }
0xa3: {  	_ =	swait.ge [sflag:s23], $0x1  }
0xa4: {  	[sflag:s23] =	ssyncset.done $0x0  }
0xa5: {  	s25 =	simm.s32 $0x1B8E;
	s24 =	sld [smem:$0x3FFE];
	[sflag:s23] =	ssyncadd.s32 $0xFFFFFFFF  }
0xa6: {  	s26 =	simm.s32 $execute0_lowered;
	[smem:$0x3FD2] =	sst s25  }
0xa7: {  	s6 =	sshll.u32 s26, $0x1;
	_ =	strace $0x80000046;
	[dreg:$0x1] =	wrdreg $0xFFFFFFFF  }
0xa8: {  	s28 =	simm.s32 $_size_execute0_lowered;
	s4 =	sadd.s32 s4, s6;
	[dreg:$0x0] =	wrdreg $0x0  }
0xa9: {  	s6 =	sshll.u32 s28, $0x1;
	[dreg:$0x2] =	wrdreg s4  }
0xaa: {  	[dreg:$0x3] =	wrdreg s6  }
0xab: {  	[dreg:$0x4] =	wrdreg $0xC0  }
0xac: {  	_ =	task [dreg:s8], $0x5FFFF  }
0xad: {  	[dreg:$0x1] =	wrdreg $0xFFFFFFFF  }
0xae: {  	[dreg:$0x0] =	wrdreg $0x60  }
0xaf: {  	[dreg:$0x2] =	wrdreg s24  }
0xb0: {  	[dreg:$0x3] =	wrdreg s2  }
0xb1: {  	[dreg:$0x4] =	wrdreg s18  }
0xb2: {  	[dreg:$0x5] =	wrdreg $0x102000  }
0xb3: {  	[dreg:$0x6] =	wrdreg $0x9  }
0xb4: {  	_ =	task.clear_ibuf [dreg:s8], $0x7FFFF;
	_ =	strace $0x90000046  }
0xb5: {  	s29 =	simm.s32 $0x9;
	_ =	strace $0x80000048  }
0xb6: {  	_ =	swait.ge [sflag:s29], $0x1  }
0xb7: {  	[sflag:s29] =	ssyncadd.s32 $0xFFFFFFFF  }
0xb8: {  	_ =	strace $0x90000048  }
0xb9: {  	_ =	sfence  }
0xba: {  	s30 =	sld [smem:$0x0];
	_ =	sdelay $0x2  }
0xbb: {  	s31 =	sshll.u32 s1, $0xD;
	s1 =	sshrl.u32 s1, $0x2  }
0xbc: {  	s3 =	sand.u32 $0x4000, s31;
	s1 =	sadd.s32 s1, s30  }
0xbd: {  	s0 =	sor.u32 s3, s0;
	s1 =	sshll.u32 s1, $0x11  }
0xbe: {  	s0 =	sor.u32 s1, s0  }
0xbf: {  	s0 =	sadd.s32 $0x8F2B, s0  }
0xc0: {  	[sflag:s0] =	ssyncadd.remote.s32 $0x1  }
0xc1: {  	_ =	sfence.sel $0xFFFF  }
0xc2: {  	[dreg:$0x0] =	wrdreg $0xFFFFFFFF;
	(pc) =	sbr.abs _section_cstart, $3  }
0xc3: {  	[dreg:$0x1] =	wrdreg $0xFFFFFFFF  }
0xc4: {  	_ =	task.clear_ibuf [dreg:s8], $0x2FFFF;
	_ =	strace $0x9FFFFFFF  }
0xc5: {  	(tm) =	ssettm $0x7FFFFFFF  }
tec
execute0_lowered:
.L_overlay_start_1:
0x0: {  	(tag) =	ssettag $0x1  }
0x1: {  	s1 =	rddreg [dreg:$0x0]  }
0x2: {  	s4 =	rddreg [dreg:$0x2];
	s3 =	srdreg.scid  }
0x3: {  	s0 =	stileid.u32;
	s2 =	rddreg [dreg:$0x3]  }
0x4: {  	s28 =	simm.s32 $0x180;
	s29 =	simm.s32 $0x1;
	s21 =	smul.u32 $0x640000, s0  }
0x5: {  	s30 =	simm.s32 $0x200;
	s5 =	sand.u32 $0x1, s3;
	s24 =	smul.u32 $0xC800, s0  }
0x6: {  	s31 =	simm.s32 $0x2;
	s6 =	sshll.u32 s0, $0x1;
	s23 =	smul.u32 $0x320000, s5  }
0x7: {  	s3 =	simm.s32 $0x0;
	s1 =	sadd.s32 $0x400, s1;
	s26 =	smul.u32 $0x6400, s5  }
0x8: {  	s6 =	sor.u32 s5, s6;
	s7 =	ssub.s32 $0x2, s5;
	s5 =	smul.u32 $0x64000, s5  }
0x9: {  	p0 =	sne.s32 s0, $0x0;
	[smem:$0x7FF] =	sst s3;
	s8 =	smul.u32 $0x6400, s6  }
0xa: {  	_ =	strace $0x80000047;
	s9 =	sshrl.u32 s7, $0x1;
	s13 =	smul.u32 $0x64000, s6  }
0xb: {  	s6 =	smul.u32 $0x320000, s6;
	s7 =	ssub.s32 s7, s9;
	s15 =	sshrl.u32 s8, $0x3  }
0xc: {  	s16 =	sor.u32 $0x80, s8;
	s10 =	sor.u32 $0x100, s8;
	s19 =	sadd.s32 s4, s13  }
0xd: {  	s6 =	sshrl.u32 s6, $0x3;
	s8 =	sadd.s32 $0x6380, s8;
	s13 =	simm.s32 $0xA  }
0xe: {  	s14 =	sadd.s32 s1, s15;
	s11 =	sshrl.u32 s16, $0x3;
	[dreg:$0xb] =	wrdreg s19  }
0xf: {  	s12 =	sshrl.u32 s10, $0x3;
	s11 =	sadd.s32 s1, s11;
	[dreg:$0x7] =	wrdreg s14  }
0x10: {  	s9 =	sshll.u32 s16, $0x4;
	s17 =	sadd.s32 s1, s12;
	[dreg:$0x8] =	wrdreg s11  }
0x11: {  	s10 =	sshll.u32 s10, $0x4;
	s18 =	sadd.s32 $0x30, s14;
	[dreg:$0x9] =	wrdreg s17  }
0x12: {  	s6 =	sadd.s32 s4, s6;
	s20 =	sadd.s32 $0x40, s14;
	[dreg:$0xa] =	wrdreg s18  }
0x13: {  	s15 =	smul.u32 $0xC8000, s0;
	s9 =	sadd.s32 s4, s9;
	[dreg:$0xc] =	wrdreg s20  }
0x14: {  	s16 =	sshrl.u32 s8, $0x3;
	s22 =	sadd.s32 $0x50, s14;
	[dreg:$0xd] =	wrdreg s9  }
0x15: {  	s8 =	sshll.u32 s8, $0x4;
	s10 =	sadd.s32 s4, s10;
	[dreg:$0xe] =	wrdreg s22  }
0x16: {  	s0 =	simm.s32 $0x5;
	s25 =	sadd.s32 $0x60, s14;
	[dreg:$0xf] =	wrdreg s10  }
0x17: {  	s14 =	sadd.s32 $0x61800, s6;
	s12 =	sadd.s32 s1, s16;
	[dreg:$0x10] =	wrdreg s25  }
0x18: {  	s16 =	simm.s32 $0x0;
	[dreg:$0x11] =	wrdreg s14;
	s9 =	sadd.s32 s23, s21  }
0x19: {  	s10 =	sadd.s32 s26, s24;
	[dreg:$0x12] =	wrdreg s12;
	s11 =	sadd.s32 s15, s4  }
0x1a: {  	s18 =	sadd.s32 $0x62000, s6;
	s24 =	sadd.s32 $0x62800, s6;
	s25 =	sadd.s32 $0x63000, s6  }
0x1b: {  	s26 =	smax.u32 s7, $0x1;
	s6 =	simm.s32 $0x8200;
	s7 =	simm.s32 $0x6  }
0x1c: {  	s12 =	simm.s32 $0x8;
	s14 =	simm.s32 $0xB;
	s15 =	simm.s32 $0xC  }
0x1d: {  	s9 =	sor.u32 $0x10000, s9;
	s17 =	sadd.s32 $0x500, s10;
	[dreg:$0x13] =	wrdreg s18  }
0x1e: {  	s5 =	sadd.s32 s5, s11;
	s20 =	sadd.s32 $0x480, s10;
	[dreg:$0x19] =	wrdreg s24  }
0x1f: {  	s21 =	sadd.s32 $0x400, s10;
	s22 =	sor.u32 $0x380, s10;
	[dreg:$0x1a] =	wrdreg s25  }
0x20: {  	[dreg:$0x1b] =	wrdreg s26;
	s25 =	simm.s32 $0x80;
	s26 =	simm.s32 $0x100  }
0x21: {  	s10 =	simm.s32 $0x7;
	s11 =	simm.s32 $0x9;
	s9 =	sshrl.u32 s9, $0x3  }
0x22: {  	[dreg:$0x6] =	wrdreg s5;
	s5 =	sshrl.u32 s21, $0x3;
	s9 =	sadd.s32 s9, s4  }
0x23: {  	s4 =	sadd.s32 s4, s8;
	s8 =	sshrl.u32 s22, $0x3;
	[dreg:$0x5] =	wrdreg s9  }
0x24: {  	s23 =	sadd.s32 s5, s1;
	s9 =	sshrl.u32 s17, $0x3;
	[dreg:$0x14] =	wrdreg s4  }
0x25: {  	s4 =	sshrl.u32 s20, $0x3;
	[dreg:$0x17] =	wrdreg s23;
	s19 =	sadd.s32 s9, s1  }
0x26: {  	s5 =	simm.s32 $0x3;
	s4 =	sadd.s32 s4, s1;
	[dreg:$0x15] =	wrdreg s19  }
0x27: {  	s1 =	sadd.s32 s8, s1;
	s8 =	simm.s32 $0x4;
	[dreg:$0x16] =	wrdreg s4  }
0x28: {  	s9 =	simm.s32 $0xC200;
	[dreg:$0x18] =	wrdreg s1;
	s1 =	simm.s32 $0x4200  }
.LBB2_1:
0x29: {  	s4 =	sshrl.u32 @!p0 s2, $0x3;
	s17 =	simm.s32 @!p0 $0x1C0D;
	s18 =	rddreg [dreg:$0x1]  }
0x2a: {  	[spmem:s4], [sflag:s17] =	dma.local @!p0 [hbm:s18], $0x2000  }
0x2b: {  	s4 =	simm.s32 @!p0 $0xD  }
0x2c: {  	_ =	swait.ge @!p0 [sflag:s4], $0x2000  }
0x2d: {  	[sflag:s4] =	ssyncset.done @!p0 $0x0  }
0x2e: {  	[sflag:s4] =	ssyncadd.s32 @!p0 $0xFFFFE000  }
0x2f: {  	[bflag:$0x0] =	sbarrier.arrive $0xFFFF  }
0x30: {  	s18 =	rddreg [dreg:$0x7]  }
0x31: {  	[tilespmem:s3], [sflag:$0x1] =	stream.linear.gather [hbm4b:s18+s3], $0x80, $0x38;
	[tilespmem:$0x11200] =	vst v63  }
0x32: {  	s19 =	rddreg [dreg:$0x8]  }
0x33: {  	[tilespmem:s25], [sflag:$0x2] =	stream.linear.gather [hbm4b:s19+s3], $0x80, $0x38;
	[tilespmem:$0x11200] =	vst v63  }
0x34: {  	s20 =	rddreg [dreg:$0x9]  }
0x35: {  	[tilespmem:s26], [sflag:$0x3] =	stream.linear.gather [hbm4b:s20+s3], $0x80, $0x38;
	[tilespmem:$0x11200] =	vst v63  }
0x36: {  	s21 =	rddreg [dreg:$0xa]  }
0x37: {  	[tilespmem:s28], [sflag:$0x4] =	stream.linear.gather [hbm4b:s21+s3], $0x80, $0x38;
	[tilespmem:$0x11200] =	vst v63  }
0x38: {  	_ =	swait.ge [sflag:s29], $0x80  }
0x39: {  	[sflag:s29] =	ssyncset.done $0x0  }
0x3a: {  	[sflag:s29] =	ssyncadd.s32 $0xFFFFFF80  }
0x3b: {  	[tilespmem:s30], [sflag:$0x5] =	stream.indirect.gather [spmem:s2], $0x80, s3, s25, $0xb8;
	[tilespmem:$0x11200] =	vst v63  }
0x3c: {  	_ =	swait.ge [sflag:s31], $0x80  }
0x3d: {  	[sflag:s31] =	ssyncset.done $0x0  }
0x3e: {  	[sflag:s31] =	ssyncadd.s32 $0xFFFFFF80  }
0x3f: {  	[tilespmem:s1], [sflag:$0x6] =	stream.indirect.gather [spmem:s2], $0x80, s25, s25, $0xb8;
	[tilespmem:$0x11200] =	vst v63  }
0x40: {  	_ =	swait.ge [sflag:s0], $0x4000  }
0x41: {  	[sflag:s0] =	ssyncset.done $0x0  }
0x42: {  	s22 =	rddreg [dreg:$0xb];
	[sflag:s0] =	ssyncadd.s32 $0xFFFFC000  }
0x43: {  	[hbm4b:s22+s3] =	stream.linear.scatter [tilespmem:s30], [sflag:$0x9], $0x4000, $0x38;
	[tilespmem:$0x11200] =	vst v63  }
0x44: {  	s23 =	rddreg [dreg:$0xc]  }
0x45: {  	[tilespmem:s3], [sflag:$0x1] =	stream.linear.gather [hbm4b:s23+s3], $0x80, $0x38;
	[tilespmem:$0x11200] =	vst v63  }
0x46: {  	_ =	swait.ge [sflag:s5], $0x80  }
0x47: {  	[sflag:s5] =	ssyncset.done $0x0  }
0x48: {  	[sflag:s5] =	ssyncadd.s32 $0xFFFFFF80  }
0x49: {  	[tilespmem:s6], [sflag:$0x7] =	stream.indirect.gather [spmem:s2], $0x80, s26, s25, $0xb8;
	[tilespmem:$0x11200] =	vst v63  }
0x4a: {  	_ =	swait.ge [sflag:s7], $0x4000  }
0x4b: {  	[sflag:s7] =	ssyncset.done $0x0  }
0x4c: {  	s24 =	rddreg [dreg:$0xd];
	[sflag:s7] =	ssyncadd.s32 $0xFFFFC000  }
0x4d: {  	[hbm4b:s24+s3] =	stream.linear.scatter [tilespmem:s1], [sflag:$0xA], $0x4000, $0x38;
	[tilespmem:$0x11200] =	vst v63  }
0x4e: {  	s17 =	rddreg [dreg:$0xe]  }
0x4f: {  	[tilespmem:s25], [sflag:$0x2] =	stream.linear.gather [hbm4b:s17+s3], $0x80, $0x38;
	[tilespmem:$0x11200] =	vst v63  }
0x50: {  	_ =	swait.ge [sflag:s8], $0x80  }
0x51: {  	[sflag:s8] =	ssyncset.done $0x0  }
0x52: {  	[sflag:s8] =	ssyncadd.s32 $0xFFFFFF80  }
0x53: {  	[tilespmem:s9], [sflag:$0x8] =	stream.indirect.gather [spmem:s2], $0x80, s28, s25, $0xb8;
	[tilespmem:$0x11200] =	vst v63  }
0x54: {  	_ =	swait.ge [sflag:s10], $0x4000  }
0x55: {  	[sflag:s10] =	ssyncset.done $0x0  }
0x56: {  	s18 =	rddreg [dreg:$0xf];
	[sflag:s10] =	ssyncadd.s32 $0xFFFFC000  }
0x57: {  	[hbm4b:s18+s3] =	stream.linear.scatter [tilespmem:s6], [sflag:$0xB], $0x4000, $0x38;
	[tilespmem:$0x11200] =	vst v63  }
0x58: {  	s19 =	rddreg [dreg:$0x10]  }
0x59: {  	[tilespmem:s26], [sflag:$0x3] =	stream.linear.gather [hbm4b:s19+s3], $0x80, $0x38;
	[tilespmem:$0x11200] =	vst v63  }
0x5a: {  	_ =	swait.ge [sflag:s29], $0x80  }
0x5b: {  	[sflag:s29] =	ssyncset.done $0x0  }
0x5c: {  	[sflag:s29] =	ssyncadd.s32 $0xFFFFFF80  }
0x5d: {  	_ =	swait.ge [sflag:s11], $0x4000  }
0x5e: {  	[sflag:s11] =	ssyncset.done $0x0  }
0x5f: {  	[sflag:s11] =	ssyncadd.s32 $0xFFFFC000  }
0x60: {  	[tilespmem:s30], [sflag:$0x5] =	stream.indirect.gather [spmem:s2], $0x80, s3, s25, $0xb8;
	[tilespmem:$0x11200] =	vst v63  }
0x61: {  	_ =	swait.ge [sflag:s12], $0x4000  }
0x62: {  	s20 =	rddreg [dreg:$0x6]  }
0x63: {  	[sflag:s12] =	ssyncset.done $0x0;
	s4 =	sadd.s32 $0x0, s20  }
0x64: {  	[sflag:s12] =	ssyncadd.s32 $0xFFFFC000;
	s21 =	sadd.s32 $0x1800, s4  }
0x65: {  	[hbm4b:s21+s3] =	stream.linear.scatter [tilespmem:s9], [sflag:$0xC], $0x4000, $0x38;
	[tilespmem:$0x11200] =	vst v63  }
0x66: {  	s22 =	rddreg [dreg:$0x18]  }
0x67: {  	[tilespmem:s28], [sflag:$0x4] =	stream.linear.gather [hbm4b:s22+s3], $0x80, $0x38;
	[tilespmem:$0x11200] =	vst v63  }
0x68: {  	_ =	swait.ge [sflag:s31], $0x80  }
0x69: {  	[sflag:s31] =	ssyncset.done $0x0  }
0x6a: {  	[sflag:s31] =	ssyncadd.s32 $0xFFFFFF80  }
0x6b: {  	_ =	swait.ge [sflag:s13], $0x4000  }
0x6c: {  	[sflag:s13] =	ssyncset.done $0x0  }
0x6d: {  	[sflag:s13] =	ssyncadd.s32 $0xFFFFC000  }
0x6e: {  	[tilespmem:s1], [sflag:$0x6] =	stream.indirect.gather [spmem:s2], $0x80, s25, s25, $0xb8;
	[tilespmem:$0x11200] =	vst v63  }
0x6f: {  	_ =	swait.ge [sflag:s0], $0x4000  }
0x70: {  	s23 =	rddreg [dreg:$0x5];
	[sflag:s0] =	ssyncset.done $0x0  }
0x71: {  	[sflag:s0] =	ssyncadd.s32 $0xFFFFC000;
	s17 =	sadd.s32 $0x0, s23  }
0x72: {  	[hbm4b:s17+s3] =	stream.linear.scatter [tilespmem:s30], [sflag:$0x9], $0x4000, $0x38;
	[tilespmem:$0x11200] =	vst v63  }
0x73: {  	s20 =	rddreg [dreg:$0x17]  }
0x74: {  	[tilespmem:s3], [sflag:$0x1] =	stream.linear.gather [hbm4b:s20+s3], $0x80, $0x38;
	[tilespmem:$0x11200] =	vst v63  }
0x75: {  	_ =	swait.ge [sflag:s5], $0x80  }
0x76: {  	[sflag:s5] =	ssyncset.done $0x0  }
0x77: {  	[sflag:s5] =	ssyncadd.s32 $0xFFFFFF80  }
0x78: {  	_ =	swait.ge [sflag:s14], $0x4000  }
0x79: {  	[sflag:s14] =	ssyncset.done $0x0  }
0x7a: {  	[sflag:s14] =	ssyncadd.s32 $0xFFFFC000  }
0x7b: {  	[tilespmem:s6], [sflag:$0x7] =	stream.indirect.gather [spmem:s2], $0x80, s26, s25, $0xb8;
	[tilespmem:$0x11200] =	vst v63  }
0x7c: {  	_ =	swait.ge [sflag:s7], $0x4000  }
0x7d: {  	[sflag:s7] =	ssyncset.done $0x0  }
0x7e: {  	s24 =	sadd.s32 $0x2800, s4;
	[sflag:s7] =	ssyncadd.s32 $0xFFFFC000  }
0x7f: {  	[hbm4b:s24+s3] =	stream.linear.scatter [tilespmem:s1], [sflag:$0xA], $0x4000, $0x38;
	[tilespmem:$0x11200] =	vst v63  }
0x80: {  	s19 =	rddreg [dreg:$0x16]  }
0x81: {  	[tilespmem:s25], [sflag:$0x2] =	stream.linear.gather [hbm4b:s19+s3], $0x80, $0x38;
	[tilespmem:$0x11200] =	vst v63  }
0x82: {  	_ =	swait.ge [sflag:s8], $0x80  }
0x83: {  	[sflag:s8] =	ssyncset.done $0x0  }
0x84: {  	[sflag:s8] =	ssyncadd.s32 $0xFFFFFF80  }
0x85: {  	_ =	swait.ge [sflag:s15], $0x4000  }
0x86: {  	[sflag:s15] =	ssyncset.done $0x0  }
0x87: {  	[sflag:s15] =	ssyncadd.s32 $0xFFFFC000  }
0x88: {  	[tilespmem:s9], [sflag:$0x8] =	stream.indirect.gather [spmem:s2], $0x80, s28, s25, $0xb8;
	[tilespmem:$0x11200] =	vst v63  }
0x89: {  	_ =	swait.ge [sflag:s10], $0x4000  }
0x8a: {  	s4 =	sadd.s32 $0x3000, s4;
	s17 =	simm.s32 $0x2000;
	[sflag:s10] =	ssyncset.done $0x0  }
0x8b: {  	s23 =	sadd.s32 $0x40, s19;
	s18 =	rddreg [dreg:$0x15];
	[sflag:s10] =	ssyncadd.s32 $0xFFFFC000  }
0x8c: {  	[hbm4b:s4+s3] =	stream.linear.scatter [tilespmem:s6], [sflag:$0xB], $0x4000, $0x38;
	[tilespmem:$0x11200] =	vst v63  }
0x8d: {  	s24 =	sadd.s32 $0x40, s20;
	s4 =	sadd.s32 $0x40, s22;
	s22 =	sadd.s32 $0x40, s18  }
.LBB2_2:
0x8e: {  	[tilespmem:s26], [sflag:$0x3] =	stream.linear.gather [hbm4b:s18+s3], $0x80, $0x38;
	[tilespmem:$0x11200] =	vst v63  }
0x8f: {  	_ =	swait.ge [sflag:s29], $0x80  }
0x90: {  	[sflag:s29] =	ssyncset.done $0x0  }
0x91: {  	[sflag:s29] =	ssyncadd.s32 $0xFFFFFF80  }
0x92: {  	_ =	swait.ge [sflag:s11], $0x4000  }
0x93: {  	[sflag:s11] =	ssyncset.done $0x0  }
0x94: {  	[sflag:s11] =	ssyncadd.s32 $0xFFFFC000  }
0x95: {  	[tilespmem:s30], [sflag:$0x5] =	stream.indirect.gather [spmem:s2], $0x80, s3, s25, $0xb8;
	[tilespmem:$0x11200] =	vst v63  }
0x96: {  	_ =	swait.ge [sflag:s12], $0x4000  }
0x97: {  	s20 =	smov.u32 s17;
	s19 =	rddreg [dreg:$0x6]  }
0x98: {  	[sflag:s12] =	ssyncset.done $0x0;
	s19 =	sadd.s32 s20, s19  }
0x99: {  	[sflag:s12] =	ssyncadd.s32 $0xFFFFC000;
	s21 =	sadd.s32 $0x1800, s19  }
0x9a: {  	[hbm4b:s21+s3] =	stream.linear.scatter [tilespmem:s9], [sflag:$0xC], $0x4000, $0x38;
	[tilespmem:$0x11200] =	vst v63  }
0x9b: {  	_ = 	snop  }
0x9c: {  	[tilespmem:s28], [sflag:$0x4] =	stream.linear.gather [hbm4b:s4+s3], $0x80, $0x38;
	[tilespmem:$0x11200] =	vst v63  }
0x9d: {  	_ =	swait.ge [sflag:s31], $0x80  }
0x9e: {  	[sflag:s31] =	ssyncset.done $0x0  }
0x9f: {  	[sflag:s31] =	ssyncadd.s32 $0xFFFFFF80  }
0xa0: {  	_ =	swait.ge [sflag:s13], $0x4000  }
0xa1: {  	[sflag:s13] =	ssyncset.done $0x0  }
0xa2: {  	[sflag:s13] =	ssyncadd.s32 $0xFFFFC000  }
0xa3: {  	[tilespmem:s1], [sflag:$0x6] =	stream.indirect.gather [spmem:s2], $0x80, s25, s25, $0xb8;
	[tilespmem:$0x11200] =	vst v63  }
0xa4: {  	_ =	swait.ge [sflag:s0], $0x4000  }
0xa5: {  	s21 =	rddreg [dreg:$0x5];
	[sflag:s0] =	ssyncset.done $0x0  }
0xa6: {  	[sflag:s0] =	ssyncadd.s32 $0xFFFFC000;
	s20 =	sadd.s32 s20, s21  }
0xa7: {  	[hbm4b:s20+s3] =	stream.linear.scatter [tilespmem:s30], [sflag:$0x9], $0x4000, $0x38;
	[tilespmem:$0x11200] =	vst v63  }
0xa8: {  	_ = 	snop  }
0xa9: {  	[tilespmem:s3], [sflag:$0x1] =	stream.linear.gather [hbm4b:s24+s3], $0x80, $0x38;
	[tilespmem:$0x11200] =	vst v63  }
0xaa: {  	_ =	swait.ge [sflag:s5], $0x80  }
0xab: {  	[sflag:s5] =	ssyncset.done $0x0  }
0xac: {  	[sflag:s5] =	ssyncadd.s32 $0xFFFFFF80  }
0xad: {  	_ =	swait.ge [sflag:s14], $0x4000  }
0xae: {  	[sflag:s14] =	ssyncset.done $0x0  }
0xaf: {  	[sflag:s14] =	ssyncadd.s32 $0xFFFFC000  }
0xb0: {  	[tilespmem:s6], [sflag:$0x7] =	stream.indirect.gather [spmem:s2], $0x80, s26, s25, $0xb8;
	[tilespmem:$0x11200] =	vst v63  }
0xb1: {  	_ =	swait.ge [sflag:s7], $0x4000  }
0xb2: {  	[sflag:s7] =	ssyncset.done $0x0  }
0xb3: {  	s21 =	sadd.s32 $0x2800, s19;
	[sflag:s7] =	ssyncadd.s32 $0xFFFFC000  }
0xb4: {  	[hbm4b:s21+s3] =	stream.linear.scatter [tilespmem:s1], [sflag:$0xA], $0x4000, $0x38;
	[tilespmem:$0x11200] =	vst v63  }
0xb5: {  	_ = 	snop  }
0xb6: {  	[tilespmem:s25], [sflag:$0x2] =	stream.linear.gather [hbm4b:s23+s3], $0x80, $0x38;
	[tilespmem:$0x11200] =	vst v63  }
0xb7: {  	_ =	swait.ge [sflag:s8], $0x80  }
0xb8: {  	[sflag:s8] =	ssyncset.done $0x0  }
0xb9: {  	[sflag:s8] =	ssyncadd.s32 $0xFFFFFF80  }
0xba: {  	_ =	swait.ge [sflag:s15], $0x4000  }
0xbb: {  	[sflag:s15] =	ssyncset.done $0x0  }
0xbc: {  	p1 =	sne.s32 s17, $0x5E000;
	[sflag:s15] =	ssyncadd.s32 $0xFFFFC000  }
0xbd: {  	[tilespmem:s9], [sflag:$0x8] =	stream.indirect.gather [spmem:s2], $0x80, s28, s25, $0xb8;
	[tilespmem:$0x11200] =	vst v63  }
.Ltmp0:
0xbe: {  	s18 =	smov.u32 s22;
	(pc) =	sbr.rel @p1 .LBB2_2-.Ltmp0, $4  }
0xbf: {  	s17 =	sadd.s32 $0x2000, s17;
	s22 =	sadd.s32 $0x40, s22;
	_ =	swait.ge [sflag:s10], $0x4000  }
0xc0: {  	s4 =	sadd.s32 $0x40, s4;
	s19 =	sadd.s32 $0x3000, s19;
	[sflag:s10] =	ssyncset.done $0x0  }
0xc1: {  	s24 =	sadd.s32 $0x40, s24;
	s23 =	sadd.s32 $0x40, s23;
	[sflag:s10] =	ssyncadd.s32 $0xFFFFC000  }
0xc2: {  	[hbm4b:s19+s3] =	stream.linear.scatter [tilespmem:s6], [sflag:$0xB], $0x4000, $0x38;
	[tilespmem:$0x11200] =	vst v63  }
0xc3: {  	[tilespmem:s26], [sflag:$0x3] =	stream.linear.gather [hbm4b:s18+s3], $0x80, $0x38;
	[tilespmem:$0x11200] =	vst v63  }
0xc4: {  	_ =	swait.ge [sflag:s29], $0x80  }
0xc5: {  	[sflag:s29] =	ssyncset.done $0x0  }
0xc6: {  	[sflag:s29] =	ssyncadd.s32 $0xFFFFFF80  }
0xc7: {  	_ =	swait.ge [sflag:s11], $0x4000  }
0xc8: {  	[sflag:s11] =	ssyncset.done $0x0  }
0xc9: {  	[sflag:s11] =	ssyncadd.s32 $0xFFFFC000  }
0xca: {  	[tilespmem:s30], [sflag:$0x5] =	stream.indirect.gather [spmem:s2], $0x80, s3, s25, $0xb8;
	[tilespmem:$0x11200] =	vst v63  }
0xcb: {  	_ =	swait.ge [sflag:s12], $0x4000  }
0xcc: {  	[sflag:s12] =	ssyncset.done $0x0  }
0xcd: {  	s4 =	rddreg [dreg:$0x11];
	[sflag:s12] =	ssyncadd.s32 $0xFFFFC000  }
0xce: {  	[hbm4b:s4+s3] =	stream.linear.scatter [tilespmem:s9], [sflag:$0xC], $0x4000, $0x38;
	[tilespmem:$0x11200] =	vst v63  }
0xcf: {  	s19 =	rddreg [dreg:$0x12]  }
0xd0: {  	[tilespmem:s28], [sflag:$0x4] =	stream.linear.gather [hbm4b:s19+s3], $0x80, $0x38;
	[tilespmem:$0x11200] =	vst v63  }
0xd1: {  	_ =	swait.ge [sflag:s31], $0x80  }
0xd2: {  	[sflag:s31] =	ssyncset.done $0x0  }
0xd3: {  	[sflag:s31] =	ssyncadd.s32 $0xFFFFFF80  }
0xd4: {  	_ =	swait.ge [sflag:s13], $0x4000  }
0xd5: {  	[sflag:s13] =	ssyncset.done $0x0  }
0xd6: {  	[sflag:s13] =	ssyncadd.s32 $0xFFFFC000  }
0xd7: {  	[tilespmem:s1], [sflag:$0x6] =	stream.indirect.gather [spmem:s2], $0x80, s25, s25, $0xb8;
	[tilespmem:$0x11200] =	vst v63  }
0xd8: {  	_ =	swait.ge [sflag:s0], $0x4000  }
0xd9: {  	[sflag:s0] =	ssyncset.done $0x0  }
0xda: {  	s20 =	rddreg [dreg:$0x13];
	[sflag:s0] =	ssyncadd.s32 $0xFFFFC000  }
0xdb: {  	[hbm4b:s20+s3] =	stream.linear.scatter [tilespmem:s30], [sflag:$0x9], $0x4000, $0x38;
	[tilespmem:$0x11200] =	vst v63  }
0xdc: {  	_ =	swait.ge [sflag:s5], $0x80  }
0xdd: {  	[sflag:s5] =	ssyncset.done $0x0  }
0xde: {  	[sflag:s5] =	ssyncadd.s32 $0xFFFFFF80  }
0xdf: {  	_ =	swait.ge [sflag:s14], $0x4000  }
0xe0: {  	[sflag:s14] =	ssyncset.done $0x0  }
0xe1: {  	[sflag:s14] =	ssyncadd.s32 $0xFFFFC000  }
0xe2: {  	[tilespmem:s6], [sflag:$0x7] =	stream.indirect.gather [spmem:s2], $0x80, s26, s25, $0xb8;
	[tilespmem:$0x11200] =	vst v63  }
0xe3: {  	_ =	swait.ge [sflag:s7], $0x4000  }
0xe4: {  	[sflag:s7] =	ssyncset.done $0x0  }
0xe5: {  	s21 =	rddreg [dreg:$0x19];
	[sflag:s7] =	ssyncadd.s32 $0xFFFFC000  }
0xe6: {  	[hbm4b:s21+s3] =	stream.linear.scatter [tilespmem:s1], [sflag:$0xA], $0x4000, $0x38;
	[tilespmem:$0x11200] =	vst v63  }
0xe7: {  	_ =	swait.ge [sflag:s8], $0x80  }
0xe8: {  	[sflag:s8] =	ssyncset.done $0x0  }
0xe9: {  	[sflag:s8] =	ssyncadd.s32 $0xFFFFFF80  }
0xea: {  	_ =	swait.ge [sflag:s15], $0x4000  }
0xeb: {  	[sflag:s15] =	ssyncset.done $0x0  }
0xec: {  	[sflag:s15] =	ssyncadd.s32 $0xFFFFC000  }
0xed: {  	[tilespmem:s9], [sflag:$0x8] =	stream.indirect.gather [spmem:s2], $0x80, s28, s25, $0xb8;
	[tilespmem:$0x11200] =	vst v63  }
0xee: {  	_ =	swait.ge [sflag:s10], $0x4000  }
0xef: {  	[sflag:s10] =	ssyncset.done $0x0  }
0xf0: {  	s22 =	rddreg [dreg:$0x1a];
	[sflag:s10] =	ssyncadd.s32 $0xFFFFC000  }
0xf1: {  	[hbm4b:s22+s3] =	stream.linear.scatter [tilespmem:s6], [sflag:$0xB], $0x4000, $0x38;
	[tilespmem:$0x11200] =	vst v63  }
0xf2: {  	_ =	swait.ge [sflag:s12], $0x4000  }
0xf3: {  	[sflag:s12] =	ssyncset.done $0x0  }
0xf4: {  	s23 =	rddreg [dreg:$0x14];
	[sflag:s12] =	ssyncadd.s32 $0xFFFFC000  }
0xf5: {  	[hbm4b:s23+s3] =	stream.linear.scatter [tilespmem:s9], [sflag:$0xC], $0x4000, $0x38;
	[tilespmem:$0x11200] =	vst v63  }
0xf6: {  	_ =	swait.ge [sflag:s11], $0x4000  }
0xf7: {  	[sflag:s11] =	ssyncset.done $0x0  }
0xf8: {  	[sflag:s11] =	ssyncadd.s32 $0xFFFFC000  }
0xf9: {  	_ =	swait.ge [sflag:s13], $0x4000  }
0xfa: {  	[sflag:s13] =	ssyncset.done $0x0  }
0xfb: {  	[sflag:s13] =	ssyncadd.s32 $0xFFFFC000  }
0xfc: {  	_ =	swait.ge [sflag:s14], $0x4000  }
0xfd: {  	[sflag:s14] =	ssyncset.done $0x0  }
0xfe: {  	[sflag:s14] =	ssyncadd.s32 $0xFFFFC000  }
0xff: {  	_ =	swait.ge [sflag:s15], $0x4000  }
0x100: {  	s16 =	sadd.s32 $0x1, s16;
	s24 =	rddreg [dreg:$0x1b]  }
0x101: {  	p1 =	sne.s32 s16, s24  }
.Ltmp1:
0x102: {  	_ = 	snop;
	(pc) =	sbr.rel @p1 .LBB2_1-.Ltmp1, $3  }
0x103: {  	_ =	sdelay $0x1  }
0x104: {  	[sflag:s15] =	ssyncset.done $0x0  }
0x105: {  	[sflag:s15] =	ssyncadd.s32 $0xFFFFC000  }
0x106: {  	_ =	sfence.sel $0x180000  }
0x107: {  	[bflag:$0x0] =	sbarrier.arrive $0xFFFF  }
0x108: {  	_ =	strace $0x90000047  }
0x109: {  	[bflag:$0x2] =	sbarrier.arrive $0xFFFF  }
0x10a: {  	s0 =	rddreg [dreg:$0x4]  }
0x10b: {  	s0 =	sadd.s32 @!p0 $0x100000, s0  }
0x10c: {  	[sflag:s0] =	ssyncadd.tile.s32 @!p0 $0x1;
	_ =	shalt  }
.Lfunc_end2:
_tile_overlayer_lowered:
.L_overlay_start_2:
0x10d: {  	(tag) =	ssettag $0x2  }
0x10e: {  	s0 =	rddreg [dreg:$0x0];
	s2 =	stileid.u32  }
0x10f: {  	s1 =	rddreg [dreg:$0x1];
	p0 =	sne.s32 s2, $0x0  }
0x110: {  	s3 =	rddreg [dreg:$0x2];
	[bflag:$0x3] =	sbarrier.arrive $0xFFFF;
	s2 =	simm.s32 @!p0 $0x1C0D  }
0x111: {  	[timem:s3], [sflag:s2] =	dma.local @!p0 [hbm:s0], s1  }
0x112: {  	s0 =	simm.s32 @!p0 $0xD  }
0x113: {  	_ =	swait.ge @!p0 [sflag:s0], s1  }
0x114: {  	s1 =	ssub.s32 @!p0 $0x0, s1;
	[sflag:s0] =	ssyncset.done @!p0 $0x0  }
0x115: {  	[sflag:s0] =	ssyncadd.s32 @!p0 s1  }
0x116: {  	[bflag:$0x3] =	sbarrier.arrive $0xFFFF  }
0x117: {  	_ =	shalt  }

</sc_bundles>
